<compile_context>
chip_gen: v7x
topology: tpu7x:2x2x1
jax: 0.10.2.dev20260603
libtpu: 0.0.44.dev20260713+nightly
codegen_flags: <defaults>
</compile_context>

<pallas_src>
import functools

import jax
import jax.numpy as jnp
import numpy as np
from jax import lax
from jax.experimental import pallas as pl
from jax.experimental.pallas import tpu as pltpu
from jax.experimental.pallas import tpu_sc as plsc

N = 10000
E = 320000
D = 128

NS = 16
K = 128
CPT = 160
EPTP = CPT * K
EPAD = NS * EPTP
NPAD = 10240
RPT = NPAD // NS
ZR = 128
ZSTEPS = RPT // ZR

_PAD = EPAD - E
_SRC_PAD = np.asarray((np.arange(_PAD) * 97) % N, np.int32)
_DST_PAD = np.asarray(N + (np.arange(_PAD) % (NPAD - N)), np.int32)

_MM_BLOCK = 1000
_GRID = N // _MM_BLOCK
_EBLK = EPAD // _GRID
_TAIL = E - (_GRID - 1) * _EBLK


def _mm_body(x_ref, w0_ref, w1_ref, e0_ref, e1_ref, sp_ref, dp_ref,
             o0_ref, o1_ref, s0_ref, d0_ref, s1_ref, d1_ref):
    i = pl.program_id(0)
    x = x_ref[...].astype(jnp.bfloat16)
    w0 = w0_ref[...].astype(jnp.bfloat16)
    w1 = w1_ref[...].astype(jnp.bfloat16)
    o0_ref[...] = jnp.dot(x, w0, preferred_element_type=jnp.float32)
    o1_ref[...] = jnp.dot(x, w1, preferred_element_type=jnp.float32)
    s0_ref[...] = e0_ref[0, :]
    d0_ref[...] = e0_ref[1, :]
    s1_ref[...] = e1_ref[0, :]
    d1_ref[...] = e1_ref[1, :]

    @pl.when(i == _GRID - 1)
    def _():
        s0_ref[pl.ds(_TAIL, _PAD)] = sp_ref[...]
        d0_ref[pl.ds(_TAIL, _PAD)] = dp_ref[...]
        s1_ref[pl.ds(_TAIL, _PAD)] = sp_ref[...]
        d1_ref[pl.ds(_TAIL, _PAD)] = dp_ref[...]


def _matmul(x, W0, W1, ei0, ei1, spad, dpad):
    grid = (_GRID,)
    return pl.pallas_call(
        _mm_body,
        grid=grid,
        in_specs=[
            pl.BlockSpec((_MM_BLOCK, D), lambda i: (i, 0)),
            pl.BlockSpec((D, D), lambda i: (0, 0)),
            pl.BlockSpec((D, D), lambda i: (0, 0)),
            pl.BlockSpec((2, _EBLK), lambda i: (0, i)),
            pl.BlockSpec((2, _EBLK), lambda i: (0, i)),
            pl.BlockSpec((_PAD,), lambda i: (0,)),
            pl.BlockSpec((_PAD,), lambda i: (0,)),
        ],
        out_specs=[
            pl.BlockSpec((_MM_BLOCK, D), lambda i: (i, 0)),
            pl.BlockSpec((_MM_BLOCK, D), lambda i: (i, 0)),
            pl.BlockSpec((_EBLK,), lambda i: (i,)),
            pl.BlockSpec((_EBLK,), lambda i: (i,)),
            pl.BlockSpec((_EBLK,), lambda i: (i,)),
            pl.BlockSpec((_EBLK,), lambda i: (i,)),
        ],
        out_shape=[
            jax.ShapeDtypeStruct((N, D), jnp.float32),
            jax.ShapeDtypeStruct((N, D), jnp.float32),
            jax.ShapeDtypeStruct((EPAD,), jnp.int32),
            jax.ShapeDtypeStruct((EPAD,), jnp.int32),
            jax.ShapeDtypeStruct((EPAD,), jnp.int32),
            jax.ShapeDtypeStruct((EPAD,), jnp.int32),
        ],
    )(x, W0, W1, ei0, ei1, spad, dpad)


def _epi_body(a0_ref, a1_ref, o_ref):
    o = jnp.maximum(a0_ref[...], 0.0) + jnp.maximum(a1_ref[...], 0.0)
    ss = jnp.sum(o * o, axis=1, keepdims=True)
    norm = jnp.maximum(jnp.sqrt(ss), 1e-12)
    o_ref[...] = o / norm


def _epilogue(a0, a1):
    blk = 1000
    grid = (N // blk,)
    return pl.pallas_call(
        _epi_body,
        grid=grid,
        in_specs=[
            pl.BlockSpec((blk, D), lambda i: (i, 0)),
            pl.BlockSpec((blk, D), lambda i: (i, 0)),
        ],
        out_specs=pl.BlockSpec((blk, D), lambda i: (i, 0)),
        out_shape=jax.ShapeDtypeStruct((N, D), jnp.float32),
    )(a0, a1)


_sc_mesh = plsc.VectorSubcoreMesh(core_axis_name="c", subcore_axis_name="s")


@functools.partial(
    pl.kernel,
    out_type=(
        jax.ShapeDtypeStruct((NPAD, D), jnp.float32),
        jax.ShapeDtypeStruct((NPAD, D), jnp.float32),
    ),
    mesh=_sc_mesh,
    scratch_types=[
        pltpu.VMEM_SHARED((NPAD, D), jnp.float32),
        [pltpu.VMEM((K, D), jnp.float32) for _ in range(2)],
        [pltpu.VMEM((K,), jnp.int32) for _ in range(4)],
        [pltpu.VMEM((K,), jnp.int32) for _ in range(4)],
        [pltpu.SemaphoreType.DMA for _ in range(2)],
        [pltpu.SemaphoreType.DMA for _ in range(2)],
        [pltpu.SemaphoreType.DMA for _ in range(4)],
    ],
)
def _sc_message_pass(xw0, src0, dst0, xw1, src1, dst1, out0, out1,
                     acc, rows, sbuf, dbuf, gsems, ssems, isems):
    c = lax.axis_index("c")
    s = lax.axis_index("s")

    def _zero_body(i, carry):
        r = i // (D // 16)
        j = i % (D // 16)
        rows[0][r, pl.ds(j * 16, 16)] = jnp.zeros((16,), jnp.float32)
        return carry

    lax.fori_loop(0, ZR * (D // 16), _zero_body, 0)

    for t in range(ZSTEPS):
        pltpu.async_copy(rows[0], acc.at[pl.ds(s * RPT + t * ZR, ZR)],
                         isems[0])
    for t in range(ZSTEPS):
        pltpu.make_async_copy(rows[0], acc.at[pl.ds(s * RPT + t * ZR, ZR)],
                              isems[0]).wait()
    plsc.subcore_barrier()

    def _run_relation(xw, srcp, dstp, out):
        base = s * EPTP

        def _idx_load(e, slot):
            off = base + e * K
            pltpu.async_copy(srcp.at[pl.ds(off, K)], sbuf[slot], isems[slot])
            pltpu.async_copy(dstp.at[pl.ds(off, K)], dbuf[slot], isems[slot])

        def _idx_wait(slot):
            pltpu.make_async_copy(srcp.at[pl.ds(base, K)], sbuf[slot],
                                  isems[slot]).wait()
            pltpu.make_async_copy(dstp.at[pl.ds(base, K)], dbuf[slot],
                                  isems[slot]).wait()

        def _gather(slot, b):
            pltpu.async_copy(xw.at[sbuf[slot]], rows[b], gsems[b])

        def _gwait(slot, b):
            pltpu.make_async_copy(xw.at[sbuf[slot]], rows[b], gsems[b]).wait()

        def _scatter(slot, b):
            pltpu.async_copy(rows[b], acc.at[dbuf[slot]], ssems[b], add=True)

        def _swait(b):
            pltpu.make_async_copy(rows[b], acc.at[dbuf[0]], ssems[b]).wait()

        _idx_load(0, 0)
        _idx_load(1, 1)

        def _body(i, carry):
            nz = i > 0
            for u in range(4):
                b = u % 2
                pb = (u + 1) % 2
                if u < 2:
                    @pl.when(nz)
                    def _():
                        _swait(b)
                else:
                    _swait(b)
                e = jnp.minimum(4 * i + u + 2, CPT - 1)
                _idx_load(e, (u + 2) % 4)
                _idx_wait(u)
                _gather(u, b)
                if u == 0:
                    @pl.when(nz)
                    def _():
                        _gwait(3, pb)
                        _scatter(3, pb)
                else:
                    _gwait(u - 1, pb)
                    _scatter(u - 1, pb)
            return carry

        lax.fori_loop(0, CPT // 4, _body, 0)

        _gwait(3, 1)
        _scatter(3, 1)
        _swait(0)
        _swait(1)
        _idx_wait(0)
        _idx_wait(1)

        plsc.subcore_barrier()
        for t in range(ZSTEPS):
            rbase = s * RPT + t * ZR
            pltpu.async_copy(acc.at[pl.ds(rbase, ZR)],
                             out.at[pl.ds(rbase, ZR)], isems[1])
        for t in range(ZSTEPS):
            pltpu.make_async_copy(acc.at[pl.ds(t * ZR, ZR)],
                                  out.at[pl.ds(t * ZR, ZR)], isems[1]).wait()

    @pl.when(c == 0)
    def _():
        _run_relation(xw0, src0, dst0, out0)

    @pl.when(c == 1)
    def _():
        _run_relation(xw1, src1, dst1, out1)


def kernel(inputs, edge_index0, edge_index1, W0, W1, dropout):
    sp = jnp.asarray(_SRC_PAD)
    dp = jnp.asarray(_DST_PAD)
    xw0, xw1, src0, dst0, src1, dst1 = _matmul(
        inputs, W0, W1, edge_index0, edge_index1, sp, dp)
    acc0, acc1 = _sc_message_pass(xw0, src0, dst0, xw1, src1, dst1)
    return _epilogue(acc0, acc1)

# --- scband reference (transcript-rebuilt; emitter-appended) ---
"""Pipeline reference for scband-graph-convolution-layer-88227218194773 (READ-ONLY COPY).

The authoritative reference and input builder live on the scoring server;
editing this copy changes nothing except your own understanding.
"""

import jax, jax.numpy as jnp
import numpy as np

N = 10000
E = 320000
D = 128


def setup_inputs(seed: int = 0) -> dict:
    key = jax.random.key(seed)
    ks = jax.random.split(key, 6)
    inputs = jax.random.normal(ks[0], (N, D), dtype=jnp.float32)
    edge_index0 = jax.random.randint(ks[1], (2, E), 0, N, dtype=jnp.int32)
    edge_index1 = jax.random.randint(ks[2], (2, E), 0, N, dtype=jnp.int32)
    # learned parameters: one weight per relation type (rt_num=2), randn init as in torch module
    W0 = jax.random.normal(ks[3], (D, D), dtype=jnp.float32)
    W1 = jax.random.normal(ks[4], (D, D), dtype=jnp.float32)
    dropout = 0
    return {"inputs": inputs, "edge_index0": edge_index0, "edge_index1": edge_index1, "W0": W0, "W1": W1, "dropout": dropout}


def reference(inputs, edge_index0, edge_index1, W0, W1, dropout):
    # dense branch: functional.dropout with rate=0 is identity (deterministic)
    x = inputs
    outs_list = []
    for ei, W in ((edge_index0, W0), (edge_index1, W1)):
        xw = x @ W  # [N, D]
        src = ei[0]
        dst = ei[1]
        # sparse adj @ xw : binary adjacency -> gather rows by src, scatter-add into dst
        gathered = jnp.take(xw, src, axis=0)  # [E, D]
        out = jax.ops.segment_sum(gathered, dst, num_segments=N)  # [N, D]
        outs_list.append(jax.nn.relu(out))
    outs = jnp.stack(outs_list)  # [rt_num, N, D]
    outputs = jnp.squeeze(jnp.sum(outs, axis=0, keepdims=True))  # [N, D]
    # F.normalize(dim=1): x / max(||x||_2, eps)
    norm = jnp.maximum(jnp.linalg.norm(outputs, axis=1, keepdims=True), 1e-12)
    return outputs / norm

if __name__ == "__main__":
    import jax
    _d = setup_inputs()
    print(jax.jit(kernel)(*tuple(_d.values())))

</pallas_src>

<mosaic_0001>
#map = affine_map<(d0, d1) -> (0, 0)>
#map1 = affine_map<(d0, d1) -> (0)>
module attributes {stable_mosaic.version = 14 : i64} {
  func.func @_sc_message_pass(%arg0: i32, %arg1: i32, %arg2: memref<10000x128xf32, #tpu.memory_space<hbm>>, %arg3: memref<327680xi32, #tpu.memory_space<hbm>>, %arg4: memref<327680xi32, #tpu.memory_space<hbm>>, %arg5: memref<10000x128xf32, #tpu.memory_space<hbm>>, %arg6: memref<327680xi32, #tpu.memory_space<hbm>>, %arg7: memref<327680xi32, #tpu.memory_space<hbm>>, %arg8: memref<10240x128xf32, #tpu.memory_space<hbm>>, %arg9: memref<10240x128xf32, #tpu.memory_space<hbm>>, %arg10: memref<10240x128xf32, #tpu.memory_space<vmem_shared>>, %arg11: memref<128x128xf32, #tpu.memory_space<vmem>>, %arg12: memref<128x128xf32, #tpu.memory_space<vmem>>, %arg13: memref<128xi32, #tpu.memory_space<vmem>>, %arg14: memref<128xi32, #tpu.memory_space<vmem>>, %arg15: memref<128xi32, #tpu.memory_space<vmem>>, %arg16: memref<128xi32, #tpu.memory_space<vmem>>, %arg17: memref<128xi32, #tpu.memory_space<vmem>>, %arg18: memref<128xi32, #tpu.memory_space<vmem>>, %arg19: memref<128xi32, #tpu.memory_space<vmem>>, %arg20: memref<128xi32, #tpu.memory_space<vmem>>, %arg21: memref<!tpu.dma_semaphore, #tpu.memory_space<semaphore_mem>>, %arg22: memref<!tpu.dma_semaphore, #tpu.memory_space<semaphore_mem>>, %arg23: memref<!tpu.dma_semaphore, #tpu.memory_space<semaphore_mem>>, %arg24: memref<!tpu.dma_semaphore, #tpu.memory_space<semaphore_mem>>, %arg25: memref<!tpu.dma_semaphore, #tpu.memory_space<semaphore_mem>>, %arg26: memref<!tpu.dma_semaphore, #tpu.memory_space<semaphore_mem>>, %arg27: memref<!tpu.dma_semaphore, #tpu.memory_space<semaphore_mem>>, %arg28: memref<!tpu.dma_semaphore, #tpu.memory_space<semaphore_mem>>) attributes {dimension_semantics = [#tpu.dimension_semantics<core_parallel>, #tpu.dimension_semantics<subcore_parallel>], iteration_bounds = array<i64: 2, 16>, scalar_prefetch = 0 : i64, scratch_operands = 19 : i64, tpu.core_type = #tpu.core_type<sc_vector_subcore>, window_params = [{transform_indices = #map}, {transform_indices = #map1}, {transform_indices = #map1}, {transform_indices = #map}, {transform_indices = #map1}, {transform_indices = #map1}, {transform_indices = #map}, {transform_indices = #map}]} {
    %scan3A = arith.constant 0 : i32
    %scan3A_0 = arith.constant 0 : i32
    %scan3A_1 = arith.constant 1024 : i32
    %scan3A_2 = arith.addi %scan3A_0, %scan3A_1 : i32
    %scan3A_3 = arith.constant 1 : i32
    scf.for %scan3A_88 = %scan3A_0 to %scan3A_2 step %scan3A_3  : i32 {
      %jit3A = arith.constant 8 : i32
      %div3A = arith.divsi %scan3A_88, %jit3A : i32
      %sign3A = arith.constant 0 : i32
      %sign3A_89 = arith.cmpi sgt, %scan3A_88, %sign3A : i32
      %sign3A_90 = arith.extui %sign3A_89 : i1 to i32
      %sign3A_91 = arith.constant 0 : i32
      %sign3A_92 = arith.cmpi slt, %scan3A_88, %sign3A_91 : i32
      %sign3A_93 = arith.extui %sign3A_92 : i1 to i32
      %sign3A_94 = arith.subi %sign3A_90, %sign3A_93 : i32
      %sign3A_95 = arith.constant 0 : i32
      %sign3A_96 = arith.cmpi sgt, %jit3A, %sign3A_95 : i32
      %sign3A_97 = arith.extui %sign3A_96 : i1 to i32
      %sign3A_98 = arith.constant 0 : i32
      %sign3A_99 = arith.cmpi slt, %jit3A, %sign3A_98 : i32
      %sign3A_100 = arith.extui %sign3A_99 : i1 to i32
      %sign3A_101 = arith.subi %sign3A_97, %sign3A_100 : i32
      %ne3A = arith.cmpi ne, %sign3A_94, %sign3A_101 : i32
      %rem3A = arith.remsi %scan3A_88, %jit3A : i32
      %ne3A_102 = arith.constant 0 : i32
      %ne3A_103 = arith.cmpi ne, %rem3A, %ne3A_102 : i32
      %and3A = arith.andi %ne3A, %ne3A_103 : i1
      %sub3A = arith.constant 1 : i32
      %sub3A_104 = arith.subi %div3A, %sub3A : i32
      %select_n3A = arith.select %and3A, %sub3A_104, %div3A : i32
      %jit3A_105 = arith.constant 8 : i32
      %eq3A_106 = arith.constant 0 : i32
      %eq3A_107 = arith.cmpi eq, %jit3A_105, %eq3A_106 : i32
      %jit3A_108 = arith.constant 1 : i32
      %select_n3A_109 = arith.select %eq3A_107, %jit3A_108, %jit3A_105 : i32
      %rem3A_110 = arith.remsi %scan3A_88, %select_n3A_109 : i32
      %ne3A_111 = arith.constant 0 : i32
      %ne3A_112 = arith.cmpi ne, %rem3A_110, %ne3A_111 : i32
      %lt3A = arith.constant 0 : i32
      %lt3A_113 = arith.cmpi slt, %rem3A_110, %lt3A : i32
      %lt3A_114 = arith.constant 0 : i32
      %lt3A_115 = arith.cmpi slt, %select_n3A_109, %lt3A_114 : i32
      %ne3A_116 = arith.xori %lt3A_113, %lt3A_115 : i1
      %and3A_117 = arith.andi %ne3A_116, %ne3A_112 : i1
      %add3A_118 = arith.addi %rem3A_110, %select_n3A_109 : i32
      %select_n3A_119 = arith.select %and3A_117, %add3A_118, %rem3A_110 : i32
      %broadcast_in_dim3A = arith.constant 0.000000e+00 : f32
      %broadcast_in_dim3A_120 = vector.broadcast %broadcast_in_dim3A : f32 to vector<16xf32>
      %mul3A_121 = arith.constant 16 : i32
      %mul3A_122 = arith.muli %select_n3A_119, %mul3A_121 : i32
      %swap3A = arith.index_cast %select_n3A : i32 to index
      %swap3A_123 = arith.index_cast %mul3A_122 : i32 to index
      %swap3A_124 = tpu.vector_load %arg11[%swap3A, %swap3A_123] {strides = array<i32>} : memref<128x128xf32, #tpu.memory_space<vmem>>, vector<1x16xf32>,
      %swap3A_125 = vector.shape_cast %swap3A_124 : vector<1x16xf32> to vector<16xf32>
      %swap3A_126 = vector.shape_cast %broadcast_in_dim3A_120 : vector<16xf32> to vector<1x16xf32>
      tpu.vector_store %arg11[%swap3A, %swap3A_123], %swap3A_126 {strides = array<i32>} : memref<128x128xf32, #tpu.memory_space<vmem>>, vector<1x16xf32>,
    }
    %scan3A_4 = arith.constant 1024 : i32
    %mul3A = arith.constant 640 : i32
    %mul3A_5 = arith.muli %arg1, %mul3A : i32
    %add3A = arith.constant 0 : i32
    %add3A_6 = arith.addi %mul3A_5, %add3A : i32
    %dma_start3A = arith.constant 0 : i32
    %dma_start3A_7 = tpu.memref_slice %arg10[%add3A_6, %dma_start3A] : memref<10240x128xf32, #tpu.memory_space<vmem_shared>> -> memref<128x128xf32, #tpu.memory_space<vmem_shared>>
    %dma_start3A_8 = arith.constant 0 : i32
    %dma_start3A_9 = tpu.memref_slice %arg10[%add3A_6, %dma_start3A_8] : memref<10240x128xf32, #tpu.memory_space<vmem_shared>> -> memref<128x128xf32, #tpu.memory_space<vmem_shared>>
    tpu.enqueue_dma source(%arg11 : memref<128x128xf32, #tpu.memory_space<vmem>>) target(%dma_start3A_9 : memref<128x128xf32, #tpu.memory_space<vmem_shared>>) target_semaphore(%arg25 : memref<!tpu.dma_semaphore, #tpu.memory_space<semaphore_mem>>)
    %mul3A_10 = arith.constant 640 : i32
    %mul3A_11 = arith.muli %arg1, %mul3A_10 : i32
    %add3A_12 = arith.constant 128 : i32
    %add3A_13 = arith.addi %mul3A_11, %add3A_12 : i32
    %dma_start3A_14 = arith.constant 0 : i32
    %dma_start3A_15 = tpu.memref_slice %arg10[%add3A_13, %dma_start3A_14] : memref<10240x128xf32, #tpu.memory_space<vmem_shared>> -> memref<128x128xf32, #tpu.memory_space<vmem_shared>>
    %dma_start3A_16 = arith.constant 0 : i32
    %dma_start3A_17 = tpu.memref_slice %arg10[%add3A_13, %dma_start3A_16] : memref<10240x128xf32, #tpu.memory_space<vmem_shared>> -> memref<128x128xf32, #tpu.memory_space<vmem_shared>>
    tpu.enqueue_dma source(%arg11 : memref<128x128xf32, #tpu.memory_space<vmem>>) target(%dma_start3A_17 : memref<128x128xf32, #tpu.memory_space<vmem_shared>>) target_semaphore(%arg25 : memref<!tpu.dma_semaphore, #tpu.memory_space<semaphore_mem>>)
    %mul3A_18 = arith.constant 640 : i32
    %mul3A_19 = arith.muli %arg1, %mul3A_18 : i32
    %add3A_20 = arith.constant 256 : i32
    %add3A_21 = arith.addi %mul3A_19, %add3A_20 : i32
    %dma_start3A_22 = arith.constant 0 : i32
    %dma_start3A_23 = tpu.memref_slice %arg10[%add3A_21, %dma_start3A_22] : memref<10240x128xf32, #tpu.memory_space<vmem_shared>> -> memref<128x128xf32, #tpu.memory_space<vmem_shared>>
    %dma_start3A_24 = arith.constant 0 : i32
    %dma_start3A_25 = tpu.memref_slice %arg10[%add3A_21, %dma_start3A_24] : memref<10240x128xf32, #tpu.memory_space<vmem_shared>> -> memref<128x128xf32, #tpu.memory_space<vmem_shared>>
    tpu.enqueue_dma source(%arg11 : memref<128x128xf32, #tpu.memory_space<vmem>>) target(%dma_start3A_25 : memref<128x128xf32, #tpu.memory_space<vmem_shared>>) target_semaphore(%arg25 : memref<!tpu.dma_semaphore, #tpu.memory_space<semaphore_mem>>)
    %mul3A_26 = arith.constant 640 : i32
    %mul3A_27 = arith.muli %arg1, %mul3A_26 : i32
    %add3A_28 = arith.constant 384 : i32
    %add3A_29 = arith.addi %mul3A_27, %add3A_28 : i32
    %dma_start3A_30 = arith.constant 0 : i32
    %dma_start3A_31 = tpu.memref_slice %arg10[%add3A_29, %dma_start3A_30] : memref<10240x128xf32, #tpu.memory_space<vmem_shared>> -> memref<128x128xf32, #tpu.memory_space<vmem_shared>>
    %dma_start3A_32 = arith.constant 0 : i32
    %dma_start3A_33 = tpu.memref_slice %arg10[%add3A_29, %dma_start3A_32] : memref<10240x128xf32, #tpu.memory_space<vmem_shared>> -> memref<128x128xf32, #tpu.memory_space<vmem_shared>>
    tpu.enqueue_dma source(%arg11 : memref<128x128xf32, #tpu.memory_space<vmem>>) target(%dma_start3A_33 : memref<128x128xf32, #tpu.memory_space<vmem_shared>>) target_semaphore(%arg25 : memref<!tpu.dma_semaphore, #tpu.memory_space<semaphore_mem>>)
    %mul3A_34 = arith.constant 640 : i32
    %mul3A_35 = arith.muli %arg1, %mul3A_34 : i32
    %add3A_36 = arith.constant 512 : i32
    %add3A_37 = arith.addi %mul3A_35, %add3A_36 : i32
    %dma_start3A_38 = arith.constant 0 : i32
    %dma_start3A_39 = tpu.memref_slice %arg10[%add3A_37, %dma_start3A_38] : memref<10240x128xf32, #tpu.memory_space<vmem_shared>> -> memref<128x128xf32, #tpu.memory_space<vmem_shared>>
    %dma_start3A_40 = arith.constant 0 : i32
    %dma_start3A_41 = tpu.memref_slice %arg10[%add3A_37, %dma_start3A_40] : memref<10240x128xf32, #tpu.memory_space<vmem_shared>> -> memref<128x128xf32, #tpu.memory_space<vmem_shared>>
    tpu.enqueue_dma source(%arg11 : memref<128x128xf32, #tpu.memory_space<vmem>>) target(%dma_start3A_41 : memref<128x128xf32, #tpu.memory_space<vmem_shared>>) target_semaphore(%arg25 : memref<!tpu.dma_semaphore, #tpu.memory_space<semaphore_mem>>)
    %mul3A_42 = arith.constant 640 : i32
    %mul3A_43 = arith.muli %arg1, %mul3A_42 : i32
    %add3A_44 = arith.constant 0 : i32
    %add3A_45 = arith.addi %mul3A_43, %add3A_44 : i32
    %dma_wait3A = arith.constant 0 : i32
    %dma_wait3A_46 = tpu.memref_slice %arg10[%add3A_45, %dma_wait3A] : memref<10240x128xf32, #tpu.memory_space<vmem_shared>> -> memref<128x128xf32, #tpu.memory_space<vmem_shared>>
    %dma_wait3A_47 = arith.constant 0 : i32
    %dma_wait3A_48 = tpu.memref_slice %arg10[%add3A_45, %dma_wait3A_47] : memref<10240x128xf32, #tpu.memory_space<vmem_shared>> -> memref<128x128xf32, #tpu.memory_space<vmem_shared>>
    tpu.wait_dma2 semaphore(%arg25 : memref<!tpu.dma_semaphore, #tpu.memory_space<semaphore_mem>>) src(%arg11 : memref<128x128xf32, #tpu.memory_space<vmem>>) dst(%dma_wait3A_48 : memref<128x128xf32, #tpu.memory_space<vmem_shared>>)
    %mul3A_49 = arith.constant 640 : i32
    %mul3A_50 = arith.muli %arg1, %mul3A_49 : i32
    %add3A_51 = arith.constant 128 : i32
    %add3A_52 = arith.addi %mul3A_50, %add3A_51 : i32
    %dma_wait3A_53 = arith.constant 0 : i32
    %dma_wait3A_54 = tpu.memref_slice %arg10[%add3A_52, %dma_wait3A_53] : memref<10240x128xf32, #tpu.memory_space<vmem_shared>> -> memref<128x128xf32, #tpu.memory_space<vmem_shared>>
    %dma_wait3A_55 = arith.constant 0 : i32
    %dma_wait3A_56 = tpu.memref_slice %arg10[%add3A_52, %dma_wait3A_55] : memref<10240x128xf32, #tpu.memory_space<vmem_shared>> -> memref<128x128xf32, #tpu.memory_space<vmem_shared>>
    tpu.wait_dma2 semaphore(%arg25 : memref<!tpu.dma_semaphore, #tpu.memory_space<semaphore_mem>>) src(%arg11 : memref<128x128xf32, #tpu.memory_space<vmem>>) dst(%dma_wait3A_56 : memref<128x128xf32, #tpu.memory_space<vmem_shared>>)
    %mul3A_57 = arith.constant 640 : i32
    %mul3A_58 = arith.muli %arg1, %mul3A_57 : i32
    %add3A_59 = arith.constant 256 : i32
    %add3A_60 = arith.addi %mul3A_58, %add3A_59 : i32
    %dma_wait3A_61 = arith.constant 0 : i32
    %dma_wait3A_62 = tpu.memref_slice %arg10[%add3A_60, %dma_wait3A_61] : memref<10240x128xf32, #tpu.memory_space<vmem_shared>> -> memref<128x128xf32, #tpu.memory_space<vmem_shared>>
    %dma_wait3A_63 = arith.constant 0 : i32
    %dma_wait3A_64 = tpu.memref_slice %arg10[%add3A_60, %dma_wait3A_63] : memref<10240x128xf32, #tpu.memory_space<vmem_shared>> -> memref<128x128xf32, #tpu.memory_space<vmem_shared>>
    tpu.wait_dma2 semaphore(%arg25 : memref<!tpu.dma_semaphore, #tpu.memory_space<semaphore_mem>>) src(%arg11 : memref<128x128xf32, #tpu.memory_space<vmem>>) dst(%dma_wait3A_64 : memref<128x128xf32, #tpu.memory_space<vmem_shared>>)
    %mul3A_65 = arith.constant 640 : i32
    %mul3A_66 = arith.muli %arg1, %mul3A_65 : i32
    %add3A_67 = arith.constant 384 : i32
    %add3A_68 = arith.addi %mul3A_66, %add3A_67 : i32
    %dma_wait3A_69 = arith.constant 0 : i32
    %dma_wait3A_70 = tpu.memref_slice %arg10[%add3A_68, %dma_wait3A_69] : memref<10240x128xf32, #tpu.memory_space<vmem_shared>> -> memref<128x128xf32, #tpu.memory_space<vmem_shared>>
    %dma_wait3A_71 = arith.constant 0 : i32
    %dma_wait3A_72 = tpu.memref_slice %arg10[%add3A_68, %dma_wait3A_71] : memref<10240x128xf32, #tpu.memory_space<vmem_shared>> -> memref<128x128xf32, #tpu.memory_space<vmem_shared>>
    tpu.wait_dma2 semaphore(%arg25 : memref<!tpu.dma_semaphore, #tpu.memory_space<semaphore_mem>>) src(%arg11 : memref<128x128xf32, #tpu.memory_space<vmem>>) dst(%dma_wait3A_72 : memref<128x128xf32, #tpu.memory_space<vmem_shared>>)
    %mul3A_73 = arith.constant 640 : i32
    %mul3A_74 = arith.muli %arg1, %mul3A_73 : i32
    %add3A_75 = arith.constant 512 : i32
    %add3A_76 = arith.addi %mul3A_74, %add3A_75 : i32
    %dma_wait3A_77 = arith.constant 0 : i32
    %dma_wait3A_78 = tpu.memref_slice %arg10[%add3A_76, %dma_wait3A_77] : memref<10240x128xf32, #tpu.memory_space<vmem_shared>> -> memref<128x128xf32, #tpu.memory_space<vmem_shared>>
    %dma_wait3A_79 = arith.constant 0 : i32
    %dma_wait3A_80 = tpu.memref_slice %arg10[%add3A_76, %dma_wait3A_79] : memref<10240x128xf32, #tpu.memory_space<vmem_shared>> -> memref<128x128xf32, #tpu.memory_space<vmem_shared>>
    tpu.wait_dma2 semaphore(%arg25 : memref<!tpu.dma_semaphore, #tpu.memory_space<semaphore_mem>>) src(%arg11 : memref<128x128xf32, #tpu.memory_space<vmem>>) dst(%dma_wait3A_80 : memref<128x128xf32, #tpu.memory_space<vmem_shared>>)
    %barrier3A = arith.constant 0 : index
    tpu.barrier barrier_id(%barrier3A)
    %eq3A = arith.constant 0 : i32
    %eq3A_81 = arith.cmpi eq, %arg0, %eq3A : i32
    %convert_element_type3A = arith.extui %eq3A_81 : i1 to i32
    %cond3A = arith.constant 0 : i32
    %cond3A_82 = arith.cmpi ne, %convert_element_type3A, %cond3A : i32
    scf.if %cond3A_82 {
      %mul3A_88 = arith.constant 20480 : i32
      %mul3A_89 = arith.muli %arg1, %mul3A_88 : i32
      %add3A_90 = arith.constant 0 : i32
      %add3A_91 = arith.addi %mul3A_89, %add3A_90 : i32
      %dma_start3A_92 = tpu.memref_slice %arg3[%add3A_91] : memref<327680xi32, #tpu.memory_space<hbm>> -> memref<128xi32, #tpu.memory_space<hbm>>
      %dma_start3A_93 = tpu.memref_slice %arg3[%add3A_91] : memref<327680xi32, #tpu.memory_space<hbm>> -> memref<128xi32, #tpu.memory_space<hbm>>
      tpu.enqueue_dma source(%dma_start3A_93 : memref<128xi32, #tpu.memory_space<hbm>>) target(%arg13 : memref<128xi32, #tpu.memory_space<vmem>>) target_semaphore(%arg25 : memref<!tpu.dma_semaphore, #tpu.memory_space<semaphore_mem>>)
      %dma_start3A_94 = tpu.memref_slice %arg4[%add3A_91] : memref<327680xi32, #tpu.memory_space<hbm>> -> memref<128xi32, #tpu.memory_space<hbm>>
      %dma_start3A_95 = tpu.memref_slice %arg4[%add3A_91] : memref<327680xi32, #tpu.memory_space<hbm>> -> memref<128xi32, #tpu.memory_space<hbm>>
      tpu.enqueue_dma source(%dma_start3A_95 : memref<128xi32, #tpu.memory_space<hbm>>) target(%arg17 : memref<128xi32, #tpu.memory_space<vmem>>) target_semaphore(%arg25 : memref<!tpu.dma_semaphore, #tpu.memory_space<semaphore_mem>>)
      %add3A_96 = arith.constant 128 : i32
      %add3A_97 = arith.addi %mul3A_89, %add3A_96 : i32
      %dma_start3A_98 = tpu.memref_slice %arg3[%add3A_97] : memref<327680xi32, #tpu.memory_space<hbm>> -> memref<128xi32, #tpu.memory_space<hbm>>
      %dma_start3A_99 = tpu.memref_slice %arg3[%add3A_97] : memref<327680xi32, #tpu.memory_space<hbm>> -> memref<128xi32, #tpu.memory_space<hbm>>
      tpu.enqueue_dma source(%dma_start3A_99 : memref<128xi32, #tpu.memory_space<hbm>>) target(%arg14 : memref<128xi32, #tpu.memory_space<vmem>>) target_semaphore(%arg26 : memref<!tpu.dma_semaphore, #tpu.memory_space<semaphore_mem>>)
      %dma_start3A_100 = tpu.memref_slice %arg4[%add3A_97] : memref<327680xi32, #tpu.memory_space<hbm>> -> memref<128xi32, #tpu.memory_space<hbm>>
      %dma_start3A_101 = tpu.memref_slice %arg4[%add3A_97] : memref<327680xi32, #tpu.memory_space<hbm>> -> memref<128xi32, #tpu.memory_space<hbm>>
      tpu.enqueue_dma source(%dma_start3A_101 : memref<128xi32, #tpu.memory_space<hbm>>) target(%arg18 : memref<128xi32, #tpu.memory_space<vmem>>) target_semaphore(%arg26 : memref<!tpu.dma_semaphore, #tpu.memory_space<semaphore_mem>>)
      %scan3A_102 = arith.constant 0 : i32
      %scan3A_103 = arith.constant 0 : i32
      %scan3A_104 = arith.constant 40 : i32
      %scan3A_105 = arith.addi %scan3A_103, %scan3A_104 : i32
      %scan3A_106 = arith.constant 1 : i32
      scf.for %scan3A_199 = %scan3A_103 to %scan3A_105 step %scan3A_106  : i32 {
        %gt3A = arith.constant 0 : i32
        %gt3A_200 = arith.cmpi sgt, %scan3A_199, %gt3A : i32
        %convert_element_type3A_201 = arith.extui %gt3A_200 : i1 to i32
        %cond3A_202 = arith.constant 0 : i32
        %cond3A_203 = arith.cmpi ne, %convert_element_type3A_201, %cond3A_202 : i32
        scf.if %cond3A_203 {
          %dma_wait3A_321 = arith.constant 0 : i32
          %dma_wait3A_322 = arith.constant 0 : i32
          %dma_wait3A_323 = tpu.memref_slice %arg10[%dma_wait3A_321, %dma_wait3A_322] : memref<10240x128xf32, #tpu.memory_space<vmem_shared>> -> memref<10240x128xf32, #tpu.memory_space<vmem_shared>>
          tpu.wait_indirect_dma semaphore(%arg23 : memref<!tpu.dma_semaphore, #tpu.memory_space<semaphore_mem>>) src(%arg11 : memref<128x128xf32, #tpu.memory_space<vmem>>) dst(%dma_wait3A_323 : memref<10240x128xf32, #tpu.memory_space<vmem_shared>>)
        } else {
        }
        %mul3A_204 = arith.constant 4 : i32
        %mul3A_205 = arith.muli %mul3A_204, %scan3A_199 : i32
        %add3A_206 = arith.constant 0 : i32
        %add3A_207 = arith.addi %mul3A_205, %add3A_206 : i32
        %add3A_208 = arith.constant 2 : i32
        %add3A_209 = arith.addi %add3A_207, %add3A_208 : i32
        %min3A = arith.constant 159 : i32
        %min3A_210 = arith.minsi %add3A_209, %min3A : i32
        %mul3A_211 = arith.constant 128 : i32
        %mul3A_212 = arith.muli %min3A_210, %mul3A_211 : i32
        %add3A_213 = arith.addi %mul3A_89, %mul3A_212 : i32
        %dma_start3A_214 = tpu.memref_slice %arg3[%add3A_213] : memref<327680xi32, #tpu.memory_space<hbm>> -> memref<128xi32, #tpu.memory_space<hbm>>
        %dma_start3A_215 = tpu.memref_slice %arg3[%add3A_213] : memref<327680xi32, #tpu.memory_space<hbm>> -> memref<128xi32, #tpu.memory_space<hbm>>
        tpu.enqueue_dma source(%dma_start3A_215 : memref<128xi32, #tpu.memory_space<hbm>>) target(%arg15 : memref<128xi32, #tpu.memory_space<vmem>>) target_semaphore(%arg27 : memref<!tpu.dma_semaphore, #tpu.memory_space<semaphore_mem>>)
        %dma_start3A_216 = tpu.memref_slice %arg4[%add3A_213] : memref<327680xi32, #tpu.memory_space<hbm>> -> memref<128xi32, #tpu.memory_space<hbm>>
        %dma_start3A_217 = tpu.memref_slice %arg4[%add3A_213] : memref<327680xi32, #tpu.memory_space<hbm>> -> memref<128xi32, #tpu.memory_space<hbm>>
        tpu.enqueue_dma source(%dma_start3A_217 : memref<128xi32, #tpu.memory_space<hbm>>) target(%arg19 : memref<128xi32, #tpu.memory_space<vmem>>) target_semaphore(%arg27 : memref<!tpu.dma_semaphore, #tpu.memory_space<semaphore_mem>>)
        %dma_wait3A_218 = tpu.memref_slice %arg3[%mul3A_89] : memref<327680xi32, #tpu.memory_space<hbm>> -> memref<128xi32, #tpu.memory_space<hbm>>
        %dma_wait3A_219 = tpu.memref_slice %arg3[%mul3A_89] : memref<327680xi32, #tpu.memory_space<hbm>> -> memref<128xi32, #tpu.memory_space<hbm>>
        tpu.wait_dma2 semaphore(%arg25 : memref<!tpu.dma_semaphore, #tpu.memory_space<semaphore_mem>>) src(%dma_wait3A_219 : memref<128xi32, #tpu.memory_space<hbm>>) dst(%arg13 : memref<128xi32, #tpu.memory_space<vmem>>)
        %dma_wait3A_220 = tpu.memref_slice %arg4[%mul3A_89] : memref<327680xi32, #tpu.memory_space<hbm>> -> memref<128xi32, #tpu.memory_space<hbm>>
        %dma_wait3A_221 = tpu.memref_slice %arg4[%mul3A_89] : memref<327680xi32, #tpu.memory_space<hbm>> -> memref<128xi32, #tpu.memory_space<hbm>>
        tpu.wait_dma2 semaphore(%arg25 : memref<!tpu.dma_semaphore, #tpu.memory_space<semaphore_mem>>) src(%dma_wait3A_221 : memref<128xi32, #tpu.memory_space<hbm>>) dst(%arg17 : memref<128xi32, #tpu.memory_space<vmem>>)
        %dma_start3A_222 = arith.constant 0 : i32
        %dma_start3A_223 = arith.constant 0 : i32
        %dma_start3A_224 = tpu.memref_slice %arg2[%dma_start3A_222, %dma_start3A_223] : memref<10000x128xf32, #tpu.memory_space<hbm>> -> memref<10000x128xf32, #tpu.memory_space<hbm>>
        tpu.enqueue_indirect_dma source(%dma_start3A_224 : memref<10000x128xf32, #tpu.memory_space<hbm>>) target(%arg11 : memref<128x128xf32, #tpu.memory_space<vmem>>) offsets(%arg13 : memref<128xi32, #tpu.memory_space<vmem>>) semaphore(%arg21 : memref<!tpu.dma_semaphore, #tpu.memory_space<semaphore_mem>>)
        %convert_element_type3A_225 = arith.extui %gt3A_200 : i1 to i32
        %cond3A_226 = arith.constant 0 : i32
        %cond3A_227 = arith.cmpi ne, %convert_element_type3A_225, %cond3A_226 : i32
        scf.if %cond3A_227 {
          %dma_wait3A_321 = arith.constant 0 : i32
          %dma_wait3A_322 = arith.constant 0 : i32
          %dma_wait3A_323 = tpu.memref_slice %arg2[%dma_wait3A_321, %dma_wait3A_322] : memref<10000x128xf32, #tpu.memory_space<hbm>> -> memref<10000x128xf32, #tpu.memory_space<hbm>>
          tpu.wait_indirect_dma semaphore(%arg22 : memref<!tpu.dma_semaphore, #tpu.memory_space<semaphore_mem>>) src(%dma_wait3A_323 : memref<10000x128xf32, #tpu.memory_space<hbm>>) dst(%arg12 : memref<128x128xf32, #tpu.memory_space<vmem>>)
          %dma_start3A_324 = arith.constant 0 : i32
          %dma_start3A_325 = arith.constant 0 : i32
          %dma_start3A_326 = tpu.memref_slice %arg10[%dma_start3A_324, %dma_start3A_325] : memref<10240x128xf32, #tpu.memory_space<vmem_shared>> -> memref<10240x128xf32, #tpu.memory_space<vmem_shared>>
          tpu.enqueue_indirect_dma source(%arg12 : memref<128x128xf32, #tpu.memory_space<vmem>>) target(%dma_start3A_326 : memref<10240x128xf32, #tpu.memory_space<vmem_shared>>) offsets(%arg20 : memref<128xi32, #tpu.memory_space<vmem>>) semaphore(%arg24 : memref<!tpu.dma_semaphore, #tpu.memory_space<semaphore_mem>>) {add = true}
        } else {
        }
        %convert_element_type3A_228 = arith.extui %gt3A_200 : i1 to i32
        %cond3A_229 = arith.constant 0 : i32
        %cond3A_230 = arith.cmpi ne, %convert_element_type3A_228, %cond3A_229 : i32
        scf.if %cond3A_230 {
          %dma_wait3A_321 = arith.constant 0 : i32
          %dma_wait3A_322 = arith.constant 0 : i32
          %dma_wait3A_323 = tpu.memref_slice %arg10[%dma_wait3A_321, %dma_wait3A_322] : memref<10240x128xf32, #tpu.memory_space<vmem_shared>> -> memref<10240x128xf32, #tpu.memory_space<vmem_shared>>
          tpu.wait_indirect_dma semaphore(%arg24 : memref<!tpu.dma_semaphore, #tpu.memory_space<semaphore_mem>>) src(%arg12 : memref<128x128xf32, #tpu.memory_space<vmem>>) dst(%dma_wait3A_323 : memref<10240x128xf32, #tpu.memory_space<vmem_shared>>)
        } else {
        }
        %mul3A_231 = arith.constant 4 : i32
        %mul3A_232 = arith.muli %mul3A_231, %scan3A_199 : i32
        %add3A_233 = arith.constant 1 : i32
        %add3A_234 = arith.addi %mul3A_232, %add3A_233 : i32
        %add3A_235 = arith.constant 2 : i32
        %add3A_236 = arith.addi %add3A_234, %add3A_235 : i32
        %min3A_237 = arith.constant 159 : i32
        %min3A_238 = arith.minsi %add3A_236, %min3A_237 : i32
        %mul3A_239 = arith.constant 128 : i32
        %mul3A_240 = arith.muli %min3A_238, %mul3A_239 : i32
        %add3A_241 = arith.addi %mul3A_89, %mul3A_240 : i32
        %dma_start3A_242 = tpu.memref_slice %arg3[%add3A_241] : memref<327680xi32, #tpu.memory_space<hbm>> -> memref<128xi32, #tpu.memory_space<hbm>>
        %dma_start3A_243 = tpu.memref_slice %arg3[%add3A_241] : memref<327680xi32, #tpu.memory_space<hbm>> -> memref<128xi32, #tpu.memory_space<hbm>>
        tpu.enqueue_dma source(%dma_start3A_243 : memref<128xi32, #tpu.memory_space<hbm>>) target(%arg16 : memref<128xi32, #tpu.memory_space<vmem>>) target_semaphore(%arg28 : memref<!tpu.dma_semaphore, #tpu.memory_space<semaphore_mem>>)
        %dma_start3A_244 = tpu.memref_slice %arg4[%add3A_241] : memref<327680xi32, #tpu.memory_space<hbm>> -> memref<128xi32, #tpu.memory_space<hbm>>
        %dma_start3A_245 = tpu.memref_slice %arg4[%add3A_241] : memref<327680xi32, #tpu.memory_space<hbm>> -> memref<128xi32, #tpu.memory_space<hbm>>
        tpu.enqueue_dma source(%dma_start3A_245 : memref<128xi32, #tpu.memory_space<hbm>>) target(%arg20 : memref<128xi32, #tpu.memory_space<vmem>>) target_semaphore(%arg28 : memref<!tpu.dma_semaphore, #tpu.memory_space<semaphore_mem>>)
        %dma_wait3A_246 = tpu.memref_slice %arg3[%mul3A_89] : memref<327680xi32, #tpu.memory_space<hbm>> -> memref<128xi32, #tpu.memory_space<hbm>>
        %dma_wait3A_247 = tpu.memref_slice %arg3[%mul3A_89] : memref<327680xi32, #tpu.memory_space<hbm>> -> memref<128xi32, #tpu.memory_space<hbm>>
        tpu.wait_dma2 semaphore(%arg26 : memref<!tpu.dma_semaphore, #tpu.memory_space<semaphore_mem>>) src(%dma_wait3A_247 : memref<128xi32, #tpu.memory_space<hbm>>) dst(%arg14 : memref<128xi32, #tpu.memory_space<vmem>>)
        %dma_wait3A_248 = tpu.memref_slice %arg4[%mul3A_89] : memref<327680xi32, #tpu.memory_space<hbm>> -> memref<128xi32, #tpu.memory_space<hbm>>
        %dma_wait3A_249 = tpu.memref_slice %arg4[%mul3A_89] : memref<327680xi32, #tpu.memory_space<hbm>> -> memref<128xi32, #tpu.memory_space<hbm>>
        tpu.wait_dma2 semaphore(%arg26 : memref<!tpu.dma_semaphore, #tpu.memory_space<semaphore_mem>>) src(%dma_wait3A_249 : memref<128xi32, #tpu.memory_space<hbm>>) dst(%arg18 : memref<128xi32, #tpu.memory_space<vmem>>)
        %dma_start3A_250 = arith.constant 0 : i32
        %dma_start3A_251 = arith.constant 0 : i32
        %dma_start3A_252 = tpu.memref_slice %arg2[%dma_start3A_250, %dma_start3A_251] : memref<10000x128xf32, #tpu.memory_space<hbm>> -> memref<10000x128xf32, #tpu.memory_space<hbm>>
        tpu.enqueue_indirect_dma source(%dma_start3A_252 : memref<10000x128xf32, #tpu.memory_space<hbm>>) target(%arg12 : memref<128x128xf32, #tpu.memory_space<vmem>>) offsets(%arg14 : memref<128xi32, #tpu.memory_space<vmem>>) semaphore(%arg22 : memref<!tpu.dma_semaphore, #tpu.memory_space<semaphore_mem>>)
        %dma_wait3A_253 = arith.constant 0 : i32
        %dma_wait3A_254 = arith.constant 0 : i32
        %dma_wait3A_255 = tpu.memref_slice %arg2[%dma_wait3A_253, %dma_wait3A_254] : memref<10000x128xf32, #tpu.memory_space<hbm>> -> memref<10000x128xf32, #tpu.memory_space<hbm>>
        tpu.wait_indirect_dma semaphore(%arg21 : memref<!tpu.dma_semaphore, #tpu.memory_space<semaphore_mem>>) src(%dma_wait3A_255 : memref<10000x128xf32, #tpu.memory_space<hbm>>) dst(%arg11 : memref<128x128xf32, #tpu.memory_space<vmem>>)
        %dma_start3A_256 = arith.constant 0 : i32
        %dma_start3A_257 = arith.constant 0 : i32
        %dma_start3A_258 = tpu.memref_slice %arg10[%dma_start3A_256, %dma_start3A_257] : memref<10240x128xf32, #tpu.memory_space<vmem_shared>> -> memref<10240x128xf32, #tpu.memory_space<vmem_shared>>
        tpu.enqueue_indirect_dma source(%arg11 : memref<128x128xf32, #tpu.memory_space<vmem>>) target(%dma_start3A_258 : memref<10240x128xf32, #tpu.memory_space<vmem_shared>>) offsets(%arg17 : memref<128xi32, #tpu.memory_space<vmem>>) semaphore(%arg23 : memref<!tpu.dma_semaphore, #tpu.memory_space<semaphore_mem>>) {add = true}
        %dma_wait3A_259 = arith.constant 0 : i32
        %dma_wait3A_260 = arith.constant 0 : i32
        %dma_wait3A_261 = tpu.memref_slice %arg10[%dma_wait3A_259, %dma_wait3A_260] : memref<10240x128xf32, #tpu.memory_space<vmem_shared>> -> memref<10240x128xf32, #tpu.memory_space<vmem_shared>>
        tpu.wait_indirect_dma semaphore(%arg23 : memref<!tpu.dma_semaphore, #tpu.memory_space<semaphore_mem>>) src(%arg11 : memref<128x128xf32, #tpu.memory_space<vmem>>) dst(%dma_wait3A_261 : memref<10240x128xf32, #tpu.memory_space<vmem_shared>>)
        %mul3A_262 = arith.constant 4 : i32
        %mul3A_263 = arith.muli %mul3A_262, %scan3A_199 : i32
        %add3A_264 = arith.constant 2 : i32
        %add3A_265 = arith.addi %mul3A_263, %add3A_264 : i32
        %add3A_266 = arith.constant 2 : i32
        %add3A_267 = arith.addi %add3A_265, %add3A_266 : i32
        %min3A_268 = arith.constant 159 : i32
        %min3A_269 = arith.minsi %add3A_267, %min3A_268 : i32
        %mul3A_270 = arith.constant 128 : i32
        %mul3A_271 = arith.muli %min3A_269, %mul3A_270 : i32
        %add3A_272 = arith.addi %mul3A_89, %mul3A_271 : i32
        %dma_start3A_273 = tpu.memref_slice %arg3[%add3A_272] : memref<327680xi32, #tpu.memory_space<hbm>> -> memref<128xi32, #tpu.memory_space<hbm>>
        %dma_start3A_274 = tpu.memref_slice %arg3[%add3A_272] : memref<327680xi32, #tpu.memory_space<hbm>> -> memref<128xi32, #tpu.memory_space<hbm>>
        tpu.enqueue_dma source(%dma_start3A_274 : memref<128xi32, #tpu.memory_space<hbm>>) target(%arg13 : memref<128xi32, #tpu.memory_space<vmem>>) target_semaphore(%arg25 : memref<!tpu.dma_semaphore, #tpu.memory_space<semaphore_mem>>)
        %dma_start3A_275 = tpu.memref_slice %arg4[%add3A_272] : memref<327680xi32, #tpu.memory_space<hbm>> -> memref<128xi32, #tpu.memory_space<hbm>>
        %dma_start3A_276 = tpu.memref_slice %arg4[%add3A_272] : memref<327680xi32, #tpu.memory_space<hbm>> -> memref<128xi32, #tpu.memory_space<hbm>>
        tpu.enqueue_dma source(%dma_start3A_276 : memref<128xi32, #tpu.memory_space<hbm>>) target(%arg17 : memref<128xi32, #tpu.memory_space<vmem>>) target_semaphore(%arg25 : memref<!tpu.dma_semaphore, #tpu.memory_space<semaphore_mem>>)
        %dma_wait3A_277 = tpu.memref_slice %arg3[%mul3A_89] : memref<327680xi32, #tpu.memory_space<hbm>> -> memref<128xi32, #tpu.memory_space<hbm>>
        %dma_wait3A_278 = tpu.memref_slice %arg3[%mul3A_89] : memref<327680xi32, #tpu.memory_space<hbm>> -> memref<128xi32, #tpu.memory_space<hbm>>
        tpu.wait_dma2 semaphore(%arg27 : memref<!tpu.dma_semaphore, #tpu.memory_space<semaphore_mem>>) src(%dma_wait3A_278 : memref<128xi32, #tpu.memory_space<hbm>>) dst(%arg15 : memref<128xi32, #tpu.memory_space<vmem>>)
        %dma_wait3A_279 = tpu.memref_slice %arg4[%mul3A_89] : memref<327680xi32, #tpu.memory_space<hbm>> -> memref<128xi32, #tpu.memory_space<hbm>>
        %dma_wait3A_280 = tpu.memref_slice %arg4[%mul3A_89] : memref<327680xi32, #tpu.memory_space<hbm>> -> memref<128xi32, #tpu.memory_space<hbm>>
        tpu.wait_dma2 semaphore(%arg27 : memref<!tpu.dma_semaphore, #tpu.memory_space<semaphore_mem>>) src(%dma_wait3A_280 : memref<128xi32, #tpu.memory_space<hbm>>) dst(%arg19 : memref<128xi32, #tpu.memory_space<vmem>>)
        %dma_start3A_281 = arith.constant 0 : i32
        %dma_start3A_282 = arith.constant 0 : i32
        %dma_start3A_283 = tpu.memref_slice %arg2[%dma_start3A_281, %dma_start3A_282] : memref<10000x128xf32, #tpu.memory_space<hbm>> -> memref<10000x128xf32, #tpu.memory_space<hbm>>
        tpu.enqueue_indirect_dma source(%dma_start3A_283 : memref<10000x128xf32, #tpu.memory_space<hbm>>) target(%arg11 : memref<128x128xf32, #tpu.memory_space<vmem>>) offsets(%arg15 : memref<128xi32, #tpu.memory_space<vmem>>) semaphore(%arg21 : memref<!tpu.dma_semaphore, #tpu.memory_space<semaphore_mem>>)
        %dma_wait3A_284 = arith.constant 0 : i32
        %dma_wait3A_285 = arith.constant 0 : i32
        %dma_wait3A_286 = tpu.memref_slice %arg2[%dma_wait3A_284, %dma_wait3A_285] : memref<10000x128xf32, #tpu.memory_space<hbm>> -> memref<10000x128xf32, #tpu.memory_space<hbm>>
        tpu.wait_indirect_dma semaphore(%arg22 : memref<!tpu.dma_semaphore, #tpu.memory_space<semaphore_mem>>) src(%dma_wait3A_286 : memref<10000x128xf32, #tpu.memory_space<hbm>>) dst(%arg12 : memref<128x128xf32, #tpu.memory_space<vmem>>)
        %dma_start3A_287 = arith.constant 0 : i32
        %dma_start3A_288 = arith.constant 0 : i32
        %dma_start3A_289 = tpu.memref_slice %arg10[%dma_start3A_287, %dma_start3A_288] : memref<10240x128xf32, #tpu.memory_space<vmem_shared>> -> memref<10240x128xf32, #tpu.memory_space<vmem_shared>>
        tpu.enqueue_indirect_dma source(%arg12 : memref<128x128xf32, #tpu.memory_space<vmem>>) target(%dma_start3A_289 : memref<10240x128xf32, #tpu.memory_space<vmem_shared>>) offsets(%arg18 : memref<128xi32, #tpu.memory_space<vmem>>) semaphore(%arg24 : memref<!tpu.dma_semaphore, #tpu.memory_space<semaphore_mem>>) {add = true}
        %dma_wait3A_290 = arith.constant 0 : i32
        %dma_wait3A_291 = arith.constant 0 : i32
        %dma_wait3A_292 = tpu.memref_slice %arg10[%dma_wait3A_290, %dma_wait3A_291] : memref<10240x128xf32, #tpu.memory_space<vmem_shared>> -> memref<10240x128xf32, #tpu.memory_space<vmem_shared>>
        tpu.wait_indirect_dma semaphore(%arg24 : memref<!tpu.dma_semaphore, #tpu.memory_space<semaphore_mem>>) src(%arg12 : memref<128x128xf32, #tpu.memory_space<vmem>>) dst(%dma_wait3A_292 : memref<10240x128xf32, #tpu.memory_space<vmem_shared>>)
        %mul3A_293 = arith.constant 4 : i32
        %mul3A_294 = arith.muli %mul3A_293, %scan3A_199 : i32
        %add3A_295 = arith.constant 3 : i32
        %add3A_296 = arith.addi %mul3A_294, %add3A_295 : i32
        %add3A_297 = arith.constant 2 : i32
        %add3A_298 = arith.addi %add3A_296, %add3A_297 : i32
        %min3A_299 = arith.constant 159 : i32
        %min3A_300 = arith.minsi %add3A_298, %min3A_299 : i32
        %mul3A_301 = arith.constant 128 : i32
        %mul3A_302 = arith.muli %min3A_300, %mul3A_301 : i32
        %add3A_303 = arith.addi %mul3A_89, %mul3A_302 : i32
        %dma_start3A_304 = tpu.memref_slice %arg3[%add3A_303] : memref<327680xi32, #tpu.memory_space<hbm>> -> memref<128xi32, #tpu.memory_space<hbm>>
        %dma_start3A_305 = tpu.memref_slice %arg3[%add3A_303] : memref<327680xi32, #tpu.memory_space<hbm>> -> memref<128xi32, #tpu.memory_space<hbm>>
        tpu.enqueue_dma source(%dma_start3A_305 : memref<128xi32, #tpu.memory_space<hbm>>) target(%arg14 : memref<128xi32, #tpu.memory_space<vmem>>) target_semaphore(%arg26 : memref<!tpu.dma_semaphore, #tpu.memory_space<semaphore_mem>>)
        %dma_start3A_306 = tpu.memref_slice %arg4[%add3A_303] : memref<327680xi32, #tpu.memory_space<hbm>> -> memref<128xi32, #tpu.memory_space<hbm>>
        %dma_start3A_307 = tpu.memref_slice %arg4[%add3A_303] : memref<327680xi32, #tpu.memory_space<hbm>> -> memref<128xi32, #tpu.memory_space<hbm>>
        tpu.enqueue_dma source(%dma_start3A_307 : memref<128xi32, #tpu.memory_space<hbm>>) target(%arg18 : memref<128xi32, #tpu.memory_space<vmem>>) target_semaphore(%arg26 : memref<!tpu.dma_semaphore, #tpu.memory_space<semaphore_mem>>)
        %dma_wait3A_308 = tpu.memref_slice %arg3[%mul3A_89] : memref<327680xi32, #tpu.memory_space<hbm>> -> memref<128xi32, #tpu.memory_space<hbm>>
        %dma_wait3A_309 = tpu.memref_slice %arg3[%mul3A_89] : memref<327680xi32, #tpu.memory_space<hbm>> -> memref<128xi32, #tpu.memory_space<hbm>>
        tpu.wait_dma2 semaphore(%arg28 : memref<!tpu.dma_semaphore, #tpu.memory_space<semaphore_mem>>) src(%dma_wait3A_309 : memref<128xi32, #tpu.memory_space<hbm>>) dst(%arg16 : memref<128xi32, #tpu.memory_space<vmem>>)
        %dma_wait3A_310 = tpu.memref_slice %arg4[%mul3A_89] : memref<327680xi32, #tpu.memory_space<hbm>> -> memref<128xi32, #tpu.memory_space<hbm>>
        %dma_wait3A_311 = tpu.memref_slice %arg4[%mul3A_89] : memref<327680xi32, #tpu.memory_space<hbm>> -> memref<128xi32, #tpu.memory_space<hbm>>
        tpu.wait_dma2 semaphore(%arg28 : memref<!tpu.dma_semaphore, #tpu.memory_space<semaphore_mem>>) src(%dma_wait3A_311 : memref<128xi32, #tpu.memory_space<hbm>>) dst(%arg20 : memref<128xi32, #tpu.memory_space<vmem>>)
        %dma_start3A_312 = arith.constant 0 : i32
        %dma_start3A_313 = arith.constant 0 : i32
        %dma_start3A_314 = tpu.memref_slice %arg2[%dma_start3A_312, %dma_start3A_313] : memref<10000x128xf32, #tpu.memory_space<hbm>> -> memref<10000x128xf32, #tpu.memory_space<hbm>>
        tpu.enqueue_indirect_dma source(%dma_start3A_314 : memref<10000x128xf32, #tpu.memory_space<hbm>>) target(%arg12 : memref<128x128xf32, #tpu.memory_space<vmem>>) offsets(%arg16 : memref<128xi32, #tpu.memory_space<vmem>>) semaphore(%arg22 : memref<!tpu.dma_semaphore, #tpu.memory_space<semaphore_mem>>)
        %dma_wait3A_315 = arith.constant 0 : i32
        %dma_wait3A_316 = arith.constant 0 : i32
        %dma_wait3A_317 = tpu.memref_slice %arg2[%dma_wait3A_315, %dma_wait3A_316] : memref<10000x128xf32, #tpu.memory_space<hbm>> -> memref<10000x128xf32, #tpu.memory_space<hbm>>
        tpu.wait_indirect_dma semaphore(%arg21 : memref<!tpu.dma_semaphore, #tpu.memory_space<semaphore_mem>>) src(%dma_wait3A_317 : memref<10000x128xf32, #tpu.memory_space<hbm>>) dst(%arg11 : memref<128x128xf32, #tpu.memory_space<vmem>>)
        %dma_start3A_318 = arith.constant 0 : i32
        %dma_start3A_319 = arith.constant 0 : i32
        %dma_start3A_320 = tpu.memref_slice %arg10[%dma_start3A_318, %dma_start3A_319] : memref<10240x128xf32, #tpu.memory_space<vmem_shared>> -> memref<10240x128xf32, #tpu.memory_space<vmem_shared>>
        tpu.enqueue_indirect_dma source(%arg11 : memref<128x128xf32, #tpu.memory_space<vmem>>) target(%dma_start3A_320 : memref<10240x128xf32, #tpu.memory_space<vmem_shared>>) offsets(%arg19 : memref<128xi32, #tpu.memory_space<vmem>>) semaphore(%arg23 : memref<!tpu.dma_semaphore, #tpu.memory_space<semaphore_mem>>) {add = true}
      }
      %scan3A_107 = arith.constant 40 : i32
      %dma_wait3A_108 = arith.constant 0 : i32
      %dma_wait3A_109 = arith.constant 0 : i32
      %dma_wait3A_110 = tpu.memref_slice %arg2[%dma_wait3A_108, %dma_wait3A_109] : memref<10000x128xf32, #tpu.memory_space<hbm>> -> memref<10000x128xf32, #tpu.memory_space<hbm>>
      tpu.wait_indirect_dma semaphore(%arg22 : memref<!tpu.dma_semaphore, #tpu.memory_space<semaphore_mem>>) src(%dma_wait3A_110 : memref<10000x128xf32, #tpu.memory_space<hbm>>) dst(%arg12 : memref<128x128xf32, #tpu.memory_space<vmem>>)
      %dma_start3A_111 = arith.constant 0 : i32
      %dma_start3A_112 = arith.constant 0 : i32
      %dma_start3A_113 = tpu.memref_slice %arg10[%dma_start3A_111, %dma_start3A_112] : memref<10240x128xf32, #tpu.memory_space<vmem_shared>> -> memref<10240x128xf32, #tpu.memory_space<vmem_shared>>
      tpu.enqueue_indirect_dma source(%arg12 : memref<128x128xf32, #tpu.memory_space<vmem>>) target(%dma_start3A_113 : memref<10240x128xf32, #tpu.memory_space<vmem_shared>>) offsets(%arg20 : memref<128xi32, #tpu.memory_space<vmem>>) semaphore(%arg24 : memref<!tpu.dma_semaphore, #tpu.memory_space<semaphore_mem>>) {add = true}
      %dma_wait3A_114 = arith.constant 0 : i32
      %dma_wait3A_115 = arith.constant 0 : i32
      %dma_wait3A_116 = tpu.memref_slice %arg10[%dma_wait3A_114, %dma_wait3A_115] : memref<10240x128xf32, #tpu.memory_space<vmem_shared>> -> memref<10240x128xf32, #tpu.memory_space<vmem_shared>>
      tpu.wait_indirect_dma semaphore(%arg23 : memref<!tpu.dma_semaphore, #tpu.memory_space<semaphore_mem>>) src(%arg11 : memref<128x128xf32, #tpu.memory_space<vmem>>) dst(%dma_wait3A_116 : memref<10240x128xf32, #tpu.memory_space<vmem_shared>>)
      %dma_wait3A_117 = arith.constant 0 : i32
      %dma_wait3A_118 = arith.constant 0 : i32
      %dma_wait3A_119 = tpu.memref_slice %arg10[%dma_wait3A_117, %dma_wait3A_118] : memref<10240x128xf32, #tpu.memory_space<vmem_shared>> -> memref<10240x128xf32, #tpu.memory_space<vmem_shared>>
      tpu.wait_indirect_dma semaphore(%arg24 : memref<!tpu.dma_semaphore, #tpu.memory_space<semaphore_mem>>) src(%arg12 : memref<128x128xf32, #tpu.memory_space<vmem>>) dst(%dma_wait3A_119 : memref<10240x128xf32, #tpu.memory_space<vmem_shared>>)
      %dma_wait3A_120 = tpu.memref_slice %arg3[%mul3A_89] : memref<327680xi32, #tpu.memory_space<hbm>> -> memref<128xi32, #tpu.memory_space<hbm>>
      %dma_wait3A_121 = tpu.memref_slice %arg3[%mul3A_89] : memref<327680xi32, #tpu.memory_space<hbm>> -> memref<128xi32, #tpu.memory_space<hbm>>
      tpu.wait_dma2 semaphore(%arg25 : memref<!tpu.dma_semaphore, #tpu.memory_space<semaphore_mem>>) src(%dma_wait3A_121 : memref<128xi32, #tpu.memory_space<hbm>>) dst(%arg13 : memref<128xi32, #tpu.memory_space<vmem>>)
      %dma_wait3A_122 = tpu.memref_slice %arg4[%mul3A_89] : memref<327680xi32, #tpu.memory_space<hbm>> -> memref<128xi32, #tpu.memory_space<hbm>>
      %dma_wait3A_123 = tpu.memref_slice %arg4[%mul3A_89] : memref<327680xi32, #tpu.memory_space<hbm>> -> memref<128xi32, #tpu.memory_space<hbm>>
      tpu.wait_dma2 semaphore(%arg25 : memref<!tpu.dma_semaphore, #tpu.memory_space<semaphore_mem>>) src(%dma_wait3A_123 : memref<128xi32, #tpu.memory_space<hbm>>) dst(%arg17 : memref<128xi32, #tpu.memory_space<vmem>>)
      %dma_wait3A_124 = tpu.memref_slice %arg3[%mul3A_89] : memref<327680xi32, #tpu.memory_space<hbm>> -> memref<128xi32, #tpu.memory_space<hbm>>
      %dma_wait3A_125 = tpu.memref_slice %arg3[%mul3A_89] : memref<327680xi32, #tpu.memory_space<hbm>> -> memref<128xi32, #tpu.memory_space<hbm>>
      tpu.wait_dma2 semaphore(%arg26 : memref<!tpu.dma_semaphore, #tpu.memory_space<semaphore_mem>>) src(%dma_wait3A_125 : memref<128xi32, #tpu.memory_space<hbm>>) dst(%arg14 : memref<128xi32, #tpu.memory_space<vmem>>)
      %dma_wait3A_126 = tpu.memref_slice %arg4[%mul3A_89] : memref<327680xi32, #tpu.memory_space<hbm>> -> memref<128xi32, #tpu.memory_space<hbm>>
      %dma_wait3A_127 = tpu.memref_slice %arg4[%mul3A_89] : memref<327680xi32, #tpu.memory_space<hbm>> -> memref<128xi32, #tpu.memory_space<hbm>>
      tpu.wait_dma2 semaphore(%arg26 : memref<!tpu.dma_semaphore, #tpu.memory_space<semaphore_mem>>) src(%dma_wait3A_127 : memref<128xi32, #tpu.memory_space<hbm>>) dst(%arg18 : memref<128xi32, #tpu.memory_space<vmem>>)
      %barrier3A_128 = arith.constant 0 : index
      tpu.barrier barrier_id(%barrier3A_128)
      %mul3A_129 = arith.constant 640 : i32
      %mul3A_130 = arith.muli %arg1, %mul3A_129 : i32
      %add3A_131 = arith.constant 0 : i32
      %add3A_132 = arith.addi %mul3A_130, %add3A_131 : i32
      %dma_start3A_133 = arith.constant 0 : i32
      %dma_start3A_134 = tpu.memref_slice %arg8[%add3A_132, %dma_start3A_133] : memref<10240x128xf32, #tpu.memory_space<hbm>> -> memref<128x128xf32, #tpu.memory_space<hbm>>
      %dma_start3A_135 = arith.constant 0 : i32
      %dma_start3A_136 = tpu.memref_slice %arg10[%add3A_132, %dma_start3A_135] : memref<10240x128xf32, #tpu.memory_space<vmem_shared>> -> memref<128x128xf32, #tpu.memory_space<vmem_shared>>
      tpu.enqueue_dma source(%dma_start3A_136 : memref<128x128xf32, #tpu.memory_space<vmem_shared>>) target(%dma_start3A_134 : memref<128x128xf32, #tpu.memory_space<hbm>>) target_semaphore(%arg26 : memref<!tpu.dma_semaphore, #tpu.memory_space<semaphore_mem>>)
      %mul3A_137 = arith.constant 640 : i32
      %mul3A_138 = arith.muli %arg1, %mul3A_137 : i32
      %add3A_139 = arith.constant 128 : i32
      %add3A_140 = arith.addi %mul3A_138, %add3A_139 : i32
      %dma_start3A_141 = arith.constant 0 : i32
      %dma_start3A_142 = tpu.memref_slice %arg8[%add3A_140, %dma_start3A_141] : memref<10240x128xf32, #tpu.memory_space<hbm>> -> memref<128x128xf32, #tpu.memory_space<hbm>>
      %dma_start3A_143 = arith.constant 0 : i32
      %dma_start3A_144 = tpu.memref_slice %arg10[%add3A_140, %dma_start3A_143] : memref<10240x128xf32, #tpu.memory_space<vmem_shared>> -> memref<128x128xf32, #tpu.memory_space<vmem_shared>>
      tpu.enqueue_dma source(%dma_start3A_144 : memref<128x128xf32, #tpu.memory_space<vmem_shared>>) target(%dma_start3A_142 : memref<128x128xf32, #tpu.memory_space<hbm>>) target_semaphore(%arg26 : memref<!tpu.dma_semaphore, #tpu.memory_space<semaphore_mem>>)
      %mul3A_145 = arith.constant 640 : i32
      %mul3A_146 = arith.muli %arg1, %mul3A_145 : i32
      %add3A_147 = arith.constant 256 : i32
      %add3A_148 = arith.addi %mul3A_146, %add3A_147 : i32
      %dma_start3A_149 = arith.constant 0 : i32
      %dma_start3A_150 = tpu.memref_slice %arg8[%add3A_148, %dma_start3A_149] : memref<10240x128xf32, #tpu.memory_space<hbm>> -> memref<128x128xf32, #tpu.memory_space<hbm>>
      %dma_start3A_151 = arith.constant 0 : i32
      %dma_start3A_152 = tpu.memref_slice %arg10[%add3A_148, %dma_start3A_151] : memref<10240x128xf32, #tpu.memory_space<vmem_shared>> -> memref<128x128xf32, #tpu.memory_space<vmem_shared>>
      tpu.enqueue_dma source(%dma_start3A_152 : memref<128x128xf32, #tpu.memory_space<vmem_shared>>) target(%dma_start3A_150 : memref<128x128xf32, #tpu.memory_space<hbm>>) target_semaphore(%arg26 : memref<!tpu.dma_semaphore, #tpu.memory_space<semaphore_mem>>)
      %mul3A_153 = arith.constant 640 : i32
      %mul3A_154 = arith.muli %arg1, %mul3A_153 : i32
      %add3A_155 = arith.constant 384 : i32
      %add3A_156 = arith.addi %mul3A_154, %add3A_155 : i32
      %dma_start3A_157 = arith.constant 0 : i32
      %dma_start3A_158 = tpu.memref_slice %arg8[%add3A_156, %dma_start3A_157] : memref<10240x128xf32, #tpu.memory_space<hbm>> -> memref<128x128xf32, #tpu.memory_space<hbm>>
      %dma_start3A_159 = arith.constant 0 : i32
      %dma_start3A_160 = tpu.memref_slice %arg10[%add3A_156, %dma_start3A_159] : memref<10240x128xf32, #tpu.memory_space<vmem_shared>> -> memref<128x128xf32, #tpu.memory_space<vmem_shared>>
      tpu.enqueue_dma source(%dma_start3A_160 : memref<128x128xf32, #tpu.memory_space<vmem_shared>>) target(%dma_start3A_158 : memref<128x128xf32, #tpu.memory_space<hbm>>) target_semaphore(%arg26 : memref<!tpu.dma_semaphore, #tpu.memory_space<semaphore_mem>>)
      %mul3A_161 = arith.constant 640 : i32
      %mul3A_162 = arith.muli %arg1, %mul3A_161 : i32
      %add3A_163 = arith.constant 512 : i32
      %add3A_164 = arith.addi %mul3A_162, %add3A_163 : i32
      %dma_start3A_165 = arith.constant 0 : i32
      %dma_start3A_166 = tpu.memref_slice %arg8[%add3A_164, %dma_start3A_165] : memref<10240x128xf32, #tpu.memory_space<hbm>> -> memref<128x128xf32, #tpu.memory_space<hbm>>
      %dma_start3A_167 = arith.constant 0 : i32
      %dma_start3A_168 = tpu.memref_slice %arg10[%add3A_164, %dma_start3A_167] : memref<10240x128xf32, #tpu.memory_space<vmem_shared>> -> memref<128x128xf32, #tpu.memory_space<vmem_shared>>
      tpu.enqueue_dma source(%dma_start3A_168 : memref<128x128xf32, #tpu.memory_space<vmem_shared>>) target(%dma_start3A_166 : memref<128x128xf32, #tpu.memory_space<hbm>>) target_semaphore(%arg26 : memref<!tpu.dma_semaphore, #tpu.memory_space<semaphore_mem>>)
      %dma_wait3A_169 = arith.constant 0 : i32
      %dma_wait3A_170 = arith.constant 0 : i32
      %dma_wait3A_171 = tpu.memref_slice %arg8[%dma_wait3A_169, %dma_wait3A_170] : memref<10240x128xf32, #tpu.memory_space<hbm>> -> memref<128x128xf32, #tpu.memory_space<hbm>>
      %dma_wait3A_172 = arith.constant 0 : i32
      %dma_wait3A_173 = arith.constant 0 : i32
      %dma_wait3A_174 = tpu.memref_slice %arg10[%dma_wait3A_172, %dma_wait3A_173] : memref<10240x128xf32, #tpu.memory_space<vmem_shared>> -> memref<128x128xf32, #tpu.memory_space<vmem_shared>>
      tpu.wait_dma2 semaphore(%arg26 : memref<!tpu.dma_semaphore, #tpu.memory_space<semaphore_mem>>) src(%dma_wait3A_174 : memref<128x128xf32, #tpu.memory_space<vmem_shared>>) dst(%dma_wait3A_171 : memref<128x128xf32, #tpu.memory_space<hbm>>)
      %dma_wait3A_175 = arith.constant 128 : i32
      %dma_wait3A_176 = arith.constant 0 : i32
      %dma_wait3A_177 = tpu.memref_slice %arg8[%dma_wait3A_175, %dma_wait3A_176] : memref<10240x128xf32, #tpu.memory_space<hbm>> -> memref<128x128xf32, #tpu.memory_space<hbm>>
      %dma_wait3A_178 = arith.constant 128 : i32
      %dma_wait3A_179 = arith.constant 0 : i32
      %dma_wait3A_180 = tpu.memref_slice %arg10[%dma_wait3A_178, %dma_wait3A_179] : memref<10240x128xf32, #tpu.memory_space<vmem_shared>> -> memref<128x128xf32, #tpu.memory_space<vmem_shared>>
      tpu.wait_dma2 semaphore(%arg26 : memref<!tpu.dma_semaphore, #tpu.memory_space<semaphore_mem>>) src(%dma_wait3A_180 : memref<128x128xf32, #tpu.memory_space<vmem_shared>>) dst(%dma_wait3A_177 : memref<128x128xf32, #tpu.memory_space<hbm>>)
      %dma_wait3A_181 = arith.constant 256 : i32
      %dma_wait3A_182 = arith.constant 0 : i32
      %dma_wait3A_183 = tpu.memref_slice %arg8[%dma_wait3A_181, %dma_wait3A_182] : memref<10240x128xf32, #tpu.memory_space<hbm>> -> memref<128x128xf32, #tpu.memory_space<hbm>>
      %dma_wait3A_184 = arith.constant 256 : i32
      %dma_wait3A_185 = arith.constant 0 : i32
      %dma_wait3A_186 = tpu.memref_slice %arg10[%dma_wait3A_184, %dma_wait3A_185] : memref<10240x128xf32, #tpu.memory_space<vmem_shared>> -> memref<128x128xf32, #tpu.memory_space<vmem_shared>>
      tpu.wait_dma2 semaphore(%arg26 : memref<!tpu.dma_semaphore, #tpu.memory_space<semaphore_mem>>) src(%dma_wait3A_186 : memref<128x128xf32, #tpu.memory_space<vmem_shared>>) dst(%dma_wait3A_183 : memref<128x128xf32, #tpu.memory_space<hbm>>)
      %dma_wait3A_187 = arith.constant 384 : i32
      %dma_wait3A_188 = arith.constant 0 : i32
      %dma_wait3A_189 = tpu.memref_slice %arg8[%dma_wait3A_187, %dma_wait3A_188] : memref<10240x128xf32, #tpu.memory_space<hbm>> -> memref<128x128xf32, #tpu.memory_space<hbm>>
      %dma_wait3A_190 = arith.constant 384 : i32
      %dma_wait3A_191 = arith.constant 0 : i32
      %dma_wait3A_192 = tpu.memref_slice %arg10[%dma_wait3A_190, %dma_wait3A_191] : memref<10240x128xf32, #tpu.memory_space<vmem_shared>> -> memref<128x128xf32, #tpu.memory_space<vmem_shared>>
      tpu.wait_dma2 semaphore(%arg26 : memref<!tpu.dma_semaphore, #tpu.memory_space<semaphore_mem>>) src(%dma_wait3A_192 : memref<128x128xf32, #tpu.memory_space<vmem_shared>>) dst(%dma_wait3A_189 : memref<128x128xf32, #tpu.memory_space<hbm>>)
      %dma_wait3A_193 = arith.constant 512 : i32
      %dma_wait3A_194 = arith.constant 0 : i32
      %dma_wait3A_195 = tpu.memref_slice %arg8[%dma_wait3A_193, %dma_wait3A_194] : memref<10240x128xf32, #tpu.memory_space<hbm>> -> memref<128x128xf32, #tpu.memory_space<hbm>>
      %dma_wait3A_196 = arith.constant 512 : i32
      %dma_wait3A_197 = arith.constant 0 : i32
      %dma_wait3A_198 = tpu.memref_slice %arg10[%dma_wait3A_196, %dma_wait3A_197] : memref<10240x128xf32, #tpu.memory_space<vmem_shared>> -> memref<128x128xf32, #tpu.memory_space<vmem_shared>>
      tpu.wait_dma2 semaphore(%arg26 : memref<!tpu.dma_semaphore, #tpu.memory_space<semaphore_mem>>) src(%dma_wait3A_198 : memref<128x128xf32, #tpu.memory_space<vmem_shared>>) dst(%dma_wait3A_195 : memref<128x128xf32, #tpu.memory_space<hbm>>)
    } else {
    }
    %eq3A_83 = arith.constant 1 : i32
    %eq3A_84 = arith.cmpi eq, %arg0, %eq3A_83 : i32
    %convert_element_type3A_85 = arith.extui %eq3A_84 : i1 to i32
    %cond3A_86 = arith.constant 0 : i32
    %cond3A_87 = arith.cmpi ne, %convert_element_type3A_85, %cond3A_86 : i32
    scf.if %cond3A_87 {
      %mul3A_88 = arith.constant 20480 : i32
      %mul3A_89 = arith.muli %arg1, %mul3A_88 : i32
      %add3A_90 = arith.constant 0 : i32
      %add3A_91 = arith.addi %mul3A_89, %add3A_90 : i32
      %dma_start3A_92 = tpu.memref_slice %arg6[%add3A_91] : memref<327680xi32, #tpu.memory_space<hbm>> -> memref<128xi32, #tpu.memory_space<hbm>>
      %dma_start3A_93 = tpu.memref_slice %arg6[%add3A_91] : memref<327680xi32, #tpu.memory_space<hbm>> -> memref<128xi32, #tpu.memory_space<hbm>>
      tpu.enqueue_dma source(%dma_start3A_93 : memref<128xi32, #tpu.memory_space<hbm>>) target(%arg13 : memref<128xi32, #tpu.memory_space<vmem>>) target_semaphore(%arg25 : memref<!tpu.dma_semaphore, #tpu.memory_space<semaphore_mem>>)
      %dma_start3A_94 = tpu.memref_slice %arg7[%add3A_91] : memref<327680xi32, #tpu.memory_space<hbm>> -> memref<128xi32, #tpu.memory_space<hbm>>
      %dma_start3A_95 = tpu.memref_slice %arg7[%add3A_91] : memref<327680xi32, #tpu.memory_space<hbm>> -> memref<128xi32, #tpu.memory_space<hbm>>
      tpu.enqueue_dma source(%dma_start3A_95 : memref<128xi32, #tpu.memory_space<hbm>>) target(%arg17 : memref<128xi32, #tpu.memory_space<vmem>>) target_semaphore(%arg25 : memref<!tpu.dma_semaphore, #tpu.memory_space<semaphore_mem>>)
      %add3A_96 = arith.constant 128 : i32
      %add3A_97 = arith.addi %mul3A_89, %add3A_96 : i32
      %dma_start3A_98 = tpu.memref_slice %arg6[%add3A_97] : memref<327680xi32, #tpu.memory_space<hbm>> -> memref<128xi32, #tpu.memory_space<hbm>>
      %dma_start3A_99 = tpu.memref_slice %arg6[%add3A_97] : memref<327680xi32, #tpu.memory_space<hbm>> -> memref<128xi32, #tpu.memory_space<hbm>>
      tpu.enqueue_dma source(%dma_start3A_99 : memref<128xi32, #tpu.memory_space<hbm>>) target(%arg14 : memref<128xi32, #tpu.memory_space<vmem>>) target_semaphore(%arg26 : memref<!tpu.dma_semaphore, #tpu.memory_space<semaphore_mem>>)
      %dma_start3A_100 = tpu.memref_slice %arg7[%add3A_97] : memref<327680xi32, #tpu.memory_space<hbm>> -> memref<128xi32, #tpu.memory_space<hbm>>
      %dma_start3A_101 = tpu.memref_slice %arg7[%add3A_97] : memref<327680xi32, #tpu.memory_space<hbm>> -> memref<128xi32, #tpu.memory_space<hbm>>
      tpu.enqueue_dma source(%dma_start3A_101 : memref<128xi32, #tpu.memory_space<hbm>>) target(%arg18 : memref<128xi32, #tpu.memory_space<vmem>>) target_semaphore(%arg26 : memref<!tpu.dma_semaphore, #tpu.memory_space<semaphore_mem>>)
      %scan3A_102 = arith.constant 0 : i32
      %scan3A_103 = arith.constant 0 : i32
      %scan3A_104 = arith.constant 40 : i32
      %scan3A_105 = arith.addi %scan3A_103, %scan3A_104 : i32
      %scan3A_106 = arith.constant 1 : i32
      scf.for %scan3A_199 = %scan3A_103 to %scan3A_105 step %scan3A_106  : i32 {
        %gt3A = arith.constant 0 : i32
        %gt3A_200 = arith.cmpi sgt, %scan3A_199, %gt3A : i32
        %convert_element_type3A_201 = arith.extui %gt3A_200 : i1 to i32
        %cond3A_202 = arith.constant 0 : i32
        %cond3A_203 = arith.cmpi ne, %convert_element_type3A_201, %cond3A_202 : i32
        scf.if %cond3A_203 {
          %dma_wait3A_321 = arith.constant 0 : i32
          %dma_wait3A_322 = arith.constant 0 : i32
          %dma_wait3A_323 = tpu.memref_slice %arg10[%dma_wait3A_321, %dma_wait3A_322] : memref<10240x128xf32, #tpu.memory_space<vmem_shared>> -> memref<10240x128xf32, #tpu.memory_space<vmem_shared>>
          tpu.wait_indirect_dma semaphore(%arg23 : memref<!tpu.dma_semaphore, #tpu.memory_space<semaphore_mem>>) src(%arg11 : memref<128x128xf32, #tpu.memory_space<vmem>>) dst(%dma_wait3A_323 : memref<10240x128xf32, #tpu.memory_space<vmem_shared>>)
        } else {
        }
        %mul3A_204 = arith.constant 4 : i32
        %mul3A_205 = arith.muli %mul3A_204, %scan3A_199 : i32
        %add3A_206 = arith.constant 0 : i32
        %add3A_207 = arith.addi %mul3A_205, %add3A_206 : i32
        %add3A_208 = arith.constant 2 : i32
        %add3A_209 = arith.addi %add3A_207, %add3A_208 : i32
        %min3A = arith.constant 159 : i32
        %min3A_210 = arith.minsi %add3A_209, %min3A : i32
        %mul3A_211 = arith.constant 128 : i32
        %mul3A_212 = arith.muli %min3A_210, %mul3A_211 : i32
        %add3A_213 = arith.addi %mul3A_89, %mul3A_212 : i32
        %dma_start3A_214 = tpu.memref_slice %arg6[%add3A_213] : memref<327680xi32, #tpu.memory_space<hbm>> -> memref<128xi32, #tpu.memory_space<hbm>>
        %dma_start3A_215 = tpu.memref_slice %arg6[%add3A_213] : memref<327680xi32, #tpu.memory_space<hbm>> -> memref<128xi32, #tpu.memory_space<hbm>>
        tpu.enqueue_dma source(%dma_start3A_215 : memref<128xi32, #tpu.memory_space<hbm>>) target(%arg15 : memref<128xi32, #tpu.memory_space<vmem>>) target_semaphore(%arg27 : memref<!tpu.dma_semaphore, #tpu.memory_space<semaphore_mem>>)
        %dma_start3A_216 = tpu.memref_slice %arg7[%add3A_213] : memref<327680xi32, #tpu.memory_space<hbm>> -> memref<128xi32, #tpu.memory_space<hbm>>
        %dma_start3A_217 = tpu.memref_slice %arg7[%add3A_213] : memref<327680xi32, #tpu.memory_space<hbm>> -> memref<128xi32, #tpu.memory_space<hbm>>
        tpu.enqueue_dma source(%dma_start3A_217 : memref<128xi32, #tpu.memory_space<hbm>>) target(%arg19 : memref<128xi32, #tpu.memory_space<vmem>>) target_semaphore(%arg27 : memref<!tpu.dma_semaphore, #tpu.memory_space<semaphore_mem>>)
        %dma_wait3A_218 = tpu.memref_slice %arg6[%mul3A_89] : memref<327680xi32, #tpu.memory_space<hbm>> -> memref<128xi32, #tpu.memory_space<hbm>>
        %dma_wait3A_219 = tpu.memref_slice %arg6[%mul3A_89] : memref<327680xi32, #tpu.memory_space<hbm>> -> memref<128xi32, #tpu.memory_space<hbm>>
        tpu.wait_dma2 semaphore(%arg25 : memref<!tpu.dma_semaphore, #tpu.memory_space<semaphore_mem>>) src(%dma_wait3A_219 : memref<128xi32, #tpu.memory_space<hbm>>) dst(%arg13 : memref<128xi32, #tpu.memory_space<vmem>>)
        %dma_wait3A_220 = tpu.memref_slice %arg7[%mul3A_89] : memref<327680xi32, #tpu.memory_space<hbm>> -> memref<128xi32, #tpu.memory_space<hbm>>
        %dma_wait3A_221 = tpu.memref_slice %arg7[%mul3A_89] : memref<327680xi32, #tpu.memory_space<hbm>> -> memref<128xi32, #tpu.memory_space<hbm>>
        tpu.wait_dma2 semaphore(%arg25 : memref<!tpu.dma_semaphore, #tpu.memory_space<semaphore_mem>>) src(%dma_wait3A_221 : memref<128xi32, #tpu.memory_space<hbm>>) dst(%arg17 : memref<128xi32, #tpu.memory_space<vmem>>)
        %dma_start3A_222 = arith.constant 0 : i32
        %dma_start3A_223 = arith.constant 0 : i32
        %dma_start3A_224 = tpu.memref_slice %arg5[%dma_start3A_222, %dma_start3A_223] : memref<10000x128xf32, #tpu.memory_space<hbm>> -> memref<10000x128xf32, #tpu.memory_space<hbm>>
        tpu.enqueue_indirect_dma source(%dma_start3A_224 : memref<10000x128xf32, #tpu.memory_space<hbm>>) target(%arg11 : memref<128x128xf32, #tpu.memory_space<vmem>>) offsets(%arg13 : memref<128xi32, #tpu.memory_space<vmem>>) semaphore(%arg21 : memref<!tpu.dma_semaphore, #tpu.memory_space<semaphore_mem>>)
        %convert_element_type3A_225 = arith.extui %gt3A_200 : i1 to i32
        %cond3A_226 = arith.constant 0 : i32
        %cond3A_227 = arith.cmpi ne, %convert_element_type3A_225, %cond3A_226 : i32
        scf.if %cond3A_227 {
          %dma_wait3A_321 = arith.constant 0 : i32
          %dma_wait3A_322 = arith.constant 0 : i32
          %dma_wait3A_323 = tpu.memref_slice %arg5[%dma_wait3A_321, %dma_wait3A_322] : memref<10000x128xf32, #tpu.memory_space<hbm>> -> memref<10000x128xf32, #tpu.memory_space<hbm>>
          tpu.wait_indirect_dma semaphore(%arg22 : memref<!tpu.dma_semaphore, #tpu.memory_space<semaphore_mem>>) src(%dma_wait3A_323 : memref<10000x128xf32, #tpu.memory_space<hbm>>) dst(%arg12 : memref<128x128xf32, #tpu.memory_space<vmem>>)
          %dma_start3A_324 = arith.constant 0 : i32
          %dma_start3A_325 = arith.constant 0 : i32
          %dma_start3A_326 = tpu.memref_slice %arg10[%dma_start3A_324, %dma_start3A_325] : memref<10240x128xf32, #tpu.memory_space<vmem_shared>> -> memref<10240x128xf32, #tpu.memory_space<vmem_shared>>
          tpu.enqueue_indirect_dma source(%arg12 : memref<128x128xf32, #tpu.memory_space<vmem>>) target(%dma_start3A_326 : memref<10240x128xf32, #tpu.memory_space<vmem_shared>>) offsets(%arg20 : memref<128xi32, #tpu.memory_space<vmem>>) semaphore(%arg24 : memref<!tpu.dma_semaphore, #tpu.memory_space<semaphore_mem>>) {add = true}
        } else {
        }
        %convert_element_type3A_228 = arith.extui %gt3A_200 : i1 to i32
        %cond3A_229 = arith.constant 0 : i32
        %cond3A_230 = arith.cmpi ne, %convert_element_type3A_228, %cond3A_229 : i32
        scf.if %cond3A_230 {
          %dma_wait3A_321 = arith.constant 0 : i32
          %dma_wait3A_322 = arith.constant 0 : i32
          %dma_wait3A_323 = tpu.memref_slice %arg10[%dma_wait3A_321, %dma_wait3A_322] : memref<10240x128xf32, #tpu.memory_space<vmem_shared>> -> memref<10240x128xf32, #tpu.memory_space<vmem_shared>>
          tpu.wait_indirect_dma semaphore(%arg24 : memref<!tpu.dma_semaphore, #tpu.memory_space<semaphore_mem>>) src(%arg12 : memref<128x128xf32, #tpu.memory_space<vmem>>) dst(%dma_wait3A_323 : memref<10240x128xf32, #tpu.memory_space<vmem_shared>>)
        } else {
        }
        %mul3A_231 = arith.constant 4 : i32
        %mul3A_232 = arith.muli %mul3A_231, %scan3A_199 : i32
        %add3A_233 = arith.constant 1 : i32
        %add3A_234 = arith.addi %mul3A_232, %add3A_233 : i32
        %add3A_235 = arith.constant 2 : i32
        %add3A_236 = arith.addi %add3A_234, %add3A_235 : i32
        %min3A_237 = arith.constant 159 : i32
        %min3A_238 = arith.minsi %add3A_236, %min3A_237 : i32
        %mul3A_239 = arith.constant 128 : i32
        %mul3A_240 = arith.muli %min3A_238, %mul3A_239 : i32
        %add3A_241 = arith.addi %mul3A_89, %mul3A_240 : i32
        %dma_start3A_242 = tpu.memref_slice %arg6[%add3A_241] : memref<327680xi32, #tpu.memory_space<hbm>> -> memref<128xi32, #tpu.memory_space<hbm>>
        %dma_start3A_243 = tpu.memref_slice %arg6[%add3A_241] : memref<327680xi32, #tpu.memory_space<hbm>> -> memref<128xi32, #tpu.memory_space<hbm>>
        tpu.enqueue_dma source(%dma_start3A_243 : memref<128xi32, #tpu.memory_space<hbm>>) target(%arg16 : memref<128xi32, #tpu.memory_space<vmem>>) target_semaphore(%arg28 : memref<!tpu.dma_semaphore, #tpu.memory_space<semaphore_mem>>)
        %dma_start3A_244 = tpu.memref_slice %arg7[%add3A_241] : memref<327680xi32, #tpu.memory_space<hbm>> -> memref<128xi32, #tpu.memory_space<hbm>>
        %dma_start3A_245 = tpu.memref_slice %arg7[%add3A_241] : memref<327680xi32, #tpu.memory_space<hbm>> -> memref<128xi32, #tpu.memory_space<hbm>>
        tpu.enqueue_dma source(%dma_start3A_245 : memref<128xi32, #tpu.memory_space<hbm>>) target(%arg20 : memref<128xi32, #tpu.memory_space<vmem>>) target_semaphore(%arg28 : memref<!tpu.dma_semaphore, #tpu.memory_space<semaphore_mem>>)
        %dma_wait3A_246 = tpu.memref_slice %arg6[%mul3A_89] : memref<327680xi32, #tpu.memory_space<hbm>> -> memref<128xi32, #tpu.memory_space<hbm>>
        %dma_wait3A_247 = tpu.memref_slice %arg6[%mul3A_89] : memref<327680xi32, #tpu.memory_space<hbm>> -> memref<128xi32, #tpu.memory_space<hbm>>
        tpu.wait_dma2 semaphore(%arg26 : memref<!tpu.dma_semaphore, #tpu.memory_space<semaphore_mem>>) src(%dma_wait3A_247 : memref<128xi32, #tpu.memory_space<hbm>>) dst(%arg14 : memref<128xi32, #tpu.memory_space<vmem>>)
        %dma_wait3A_248 = tpu.memref_slice %arg7[%mul3A_89] : memref<327680xi32, #tpu.memory_space<hbm>> -> memref<128xi32, #tpu.memory_space<hbm>>
        %dma_wait3A_249 = tpu.memref_slice %arg7[%mul3A_89] : memref<327680xi32, #tpu.memory_space<hbm>> -> memref<128xi32, #tpu.memory_space<hbm>>
        tpu.wait_dma2 semaphore(%arg26 : memref<!tpu.dma_semaphore, #tpu.memory_space<semaphore_mem>>) src(%dma_wait3A_249 : memref<128xi32, #tpu.memory_space<hbm>>) dst(%arg18 : memref<128xi32, #tpu.memory_space<vmem>>)
        %dma_start3A_250 = arith.constant 0 : i32
        %dma_start3A_251 = arith.constant 0 : i32
        %dma_start3A_252 = tpu.memref_slice %arg5[%dma_start3A_250, %dma_start3A_251] : memref<10000x128xf32, #tpu.memory_space<hbm>> -> memref<10000x128xf32, #tpu.memory_space<hbm>>
        tpu.enqueue_indirect_dma source(%dma_start3A_252 : memref<10000x128xf32, #tpu.memory_space<hbm>>) target(%arg12 : memref<128x128xf32, #tpu.memory_space<vmem>>) offsets(%arg14 : memref<128xi32, #tpu.memory_space<vmem>>) semaphore(%arg22 : memref<!tpu.dma_semaphore, #tpu.memory_space<semaphore_mem>>)
        %dma_wait3A_253 = arith.constant 0 : i32
        %dma_wait3A_254 = arith.constant 0 : i32
        %dma_wait3A_255 = tpu.memref_slice %arg5[%dma_wait3A_253, %dma_wait3A_254] : memref<10000x128xf32, #tpu.memory_space<hbm>> -> memref<10000x128xf32, #tpu.memory_space<hbm>>
        tpu.wait_indirect_dma semaphore(%arg21 : memref<!tpu.dma_semaphore, #tpu.memory_space<semaphore_mem>>) src(%dma_wait3A_255 : memref<10000x128xf32, #tpu.memory_space<hbm>>) dst(%arg11 : memref<128x128xf32, #tpu.memory_space<vmem>>)
        %dma_start3A_256 = arith.constant 0 : i32
        %dma_start3A_257 = arith.constant 0 : i32
        %dma_start3A_258 = tpu.memref_slice %arg10[%dma_start3A_256, %dma_start3A_257] : memref<10240x128xf32, #tpu.memory_space<vmem_shared>> -> memref<10240x128xf32, #tpu.memory_space<vmem_shared>>
        tpu.enqueue_indirect_dma source(%arg11 : memref<128x128xf32, #tpu.memory_space<vmem>>) target(%dma_start3A_258 : memref<10240x128xf32, #tpu.memory_space<vmem_shared>>) offsets(%arg17 : memref<128xi32, #tpu.memory_space<vmem>>) semaphore(%arg23 : memref<!tpu.dma_semaphore, #tpu.memory_space<semaphore_mem>>) {add = true}
        %dma_wait3A_259 = arith.constant 0 : i32
        %dma_wait3A_260 = arith.constant 0 : i32
        %dma_wait3A_261 = tpu.memref_slice %arg10[%dma_wait3A_259, %dma_wait3A_260] : memref<10240x128xf32, #tpu.memory_space<vmem_shared>> -> memref<10240x128xf32, #tpu.memory_space<vmem_shared>>
        tpu.wait_indirect_dma semaphore(%arg23 : memref<!tpu.dma_semaphore, #tpu.memory_space<semaphore_mem>>) src(%arg11 : memref<128x128xf32, #tpu.memory_space<vmem>>) dst(%dma_wait3A_261 : memref<10240x128xf32, #tpu.memory_space<vmem_shared>>)
        %mul3A_262 = arith.constant 4 : i32
        %mul3A_263 = arith.muli %mul3A_262, %scan3A_199 : i32
        %add3A_264 = arith.constant 2 : i32
        %add3A_265 = arith.addi %mul3A_263, %add3A_264 : i32
        %add3A_266 = arith.constant 2 : i32
        %add3A_267 = arith.addi %add3A_265, %add3A_266 : i32
        %min3A_268 = arith.constant 159 : i32
        %min3A_269 = arith.minsi %add3A_267, %min3A_268 : i32
        %mul3A_270 = arith.constant 128 : i32
        %mul3A_271 = arith.muli %min3A_269, %mul3A_270 : i32
        %add3A_272 = arith.addi %mul3A_89, %mul3A_271 : i32
        %dma_start3A_273 = tpu.memref_slice %arg6[%add3A_272] : memref<327680xi32, #tpu.memory_space<hbm>> -> memref<128xi32, #tpu.memory_space<hbm>>
        %dma_start3A_274 = tpu.memref_slice %arg6[%add3A_272] : memref<327680xi32, #tpu.memory_space<hbm>> -> memref<128xi32, #tpu.memory_space<hbm>>
        tpu.enqueue_dma source(%dma_start3A_274 : memref<128xi32, #tpu.memory_space<hbm>>) target(%arg13 : memref<128xi32, #tpu.memory_space<vmem>>) target_semaphore(%arg25 : memref<!tpu.dma_semaphore, #tpu.memory_space<semaphore_mem>>)
        %dma_start3A_275 = tpu.memref_slice %arg7[%add3A_272] : memref<327680xi32, #tpu.memory_space<hbm>> -> memref<128xi32, #tpu.memory_space<hbm>>
        %dma_start3A_276 = tpu.memref_slice %arg7[%add3A_272] : memref<327680xi32, #tpu.memory_space<hbm>> -> memref<128xi32, #tpu.memory_space<hbm>>
        tpu.enqueue_dma source(%dma_start3A_276 : memref<128xi32, #tpu.memory_space<hbm>>) target(%arg17 : memref<128xi32, #tpu.memory_space<vmem>>) target_semaphore(%arg25 : memref<!tpu.dma_semaphore, #tpu.memory_space<semaphore_mem>>)
        %dma_wait3A_277 = tpu.memref_slice %arg6[%mul3A_89] : memref<327680xi32, #tpu.memory_space<hbm>> -> memref<128xi32, #tpu.memory_space<hbm>>
        %dma_wait3A_278 = tpu.memref_slice %arg6[%mul3A_89] : memref<327680xi32, #tpu.memory_space<hbm>> -> memref<128xi32, #tpu.memory_space<hbm>>
        tpu.wait_dma2 semaphore(%arg27 : memref<!tpu.dma_semaphore, #tpu.memory_space<semaphore_mem>>) src(%dma_wait3A_278 : memref<128xi32, #tpu.memory_space<hbm>>) dst(%arg15 : memref<128xi32, #tpu.memory_space<vmem>>)
        %dma_wait3A_279 = tpu.memref_slice %arg7[%mul3A_89] : memref<327680xi32, #tpu.memory_space<hbm>> -> memref<128xi32, #tpu.memory_space<hbm>>
        %dma_wait3A_280 = tpu.memref_slice %arg7[%mul3A_89] : memref<327680xi32, #tpu.memory_space<hbm>> -> memref<128xi32, #tpu.memory_space<hbm>>
        tpu.wait_dma2 semaphore(%arg27 : memref<!tpu.dma_semaphore, #tpu.memory_space<semaphore_mem>>) src(%dma_wait3A_280 : memref<128xi32, #tpu.memory_space<hbm>>) dst(%arg19 : memref<128xi32, #tpu.memory_space<vmem>>)
        %dma_start3A_281 = arith.constant 0 : i32
        %dma_start3A_282 = arith.constant 0 : i32
        %dma_start3A_283 = tpu.memref_slice %arg5[%dma_start3A_281, %dma_start3A_282] : memref<10000x128xf32, #tpu.memory_space<hbm>> -> memref<10000x128xf32, #tpu.memory_space<hbm>>
        tpu.enqueue_indirect_dma source(%dma_start3A_283 : memref<10000x128xf32, #tpu.memory_space<hbm>>) target(%arg11 : memref<128x128xf32, #tpu.memory_space<vmem>>) offsets(%arg15 : memref<128xi32, #tpu.memory_space<vmem>>) semaphore(%arg21 : memref<!tpu.dma_semaphore, #tpu.memory_space<semaphore_mem>>)
        %dma_wait3A_284 = arith.constant 0 : i32
        %dma_wait3A_285 = arith.constant 0 : i32
        %dma_wait3A_286 = tpu.memref_slice %arg5[%dma_wait3A_284, %dma_wait3A_285] : memref<10000x128xf32, #tpu.memory_space<hbm>> -> memref<10000x128xf32, #tpu.memory_space<hbm>>
        tpu.wait_indirect_dma semaphore(%arg22 : memref<!tpu.dma_semaphore, #tpu.memory_space<semaphore_mem>>) src(%dma_wait3A_286 : memref<10000x128xf32, #tpu.memory_space<hbm>>) dst(%arg12 : memref<128x128xf32, #tpu.memory_space<vmem>>)
        %dma_start3A_287 = arith.constant 0 : i32
        %dma_start3A_288 = arith.constant 0 : i32
        %dma_start3A_289 = tpu.memref_slice %arg10[%dma_start3A_287, %dma_start3A_288] : memref<10240x128xf32, #tpu.memory_space<vmem_shared>> -> memref<10240x128xf32, #tpu.memory_space<vmem_shared>>
        tpu.enqueue_indirect_dma source(%arg12 : memref<128x128xf32, #tpu.memory_space<vmem>>) target(%dma_start3A_289 : memref<10240x128xf32, #tpu.memory_space<vmem_shared>>) offsets(%arg18 : memref<128xi32, #tpu.memory_space<vmem>>) semaphore(%arg24 : memref<!tpu.dma_semaphore, #tpu.memory_space<semaphore_mem>>) {add = true}
        %dma_wait3A_290 = arith.constant 0 : i32
        %dma_wait3A_291 = arith.constant 0 : i32
        %dma_wait3A_292 = tpu.memref_slice %arg10[%dma_wait3A_290, %dma_wait3A_291] : memref<10240x128xf32, #tpu.memory_space<vmem_shared>> -> memref<10240x128xf32, #tpu.memory_space<vmem_shared>>
        tpu.wait_indirect_dma semaphore(%arg24 : memref<!tpu.dma_semaphore, #tpu.memory_space<semaphore_mem>>) src(%arg12 : memref<128x128xf32, #tpu.memory_space<vmem>>) dst(%dma_wait3A_292 : memref<10240x128xf32, #tpu.memory_space<vmem_shared>>)
        %mul3A_293 = arith.constant 4 : i32
        %mul3A_294 = arith.muli %mul3A_293, %scan3A_199 : i32
        %add3A_295 = arith.constant 3 : i32
        %add3A_296 = arith.addi %mul3A_294, %add3A_295 : i32
        %add3A_297 = arith.constant 2 : i32
        %add3A_298 = arith.addi %add3A_296, %add3A_297 : i32
        %min3A_299 = arith.constant 159 : i32
        %min3A_300 = arith.minsi %add3A_298, %min3A_299 : i32
        %mul3A_301 = arith.constant 128 : i32
        %mul3A_302 = arith.muli %min3A_300, %mul3A_301 : i32
        %add3A_303 = arith.addi %mul3A_89, %mul3A_302 : i32
        %dma_start3A_304 = tpu.memref_slice %arg6[%add3A_303] : memref<327680xi32, #tpu.memory_space<hbm>> -> memref<128xi32, #tpu.memory_space<hbm>>
        %dma_start3A_305 = tpu.memref_slice %arg6[%add3A_303] : memref<327680xi32, #tpu.memory_space<hbm>> -> memref<128xi32, #tpu.memory_space<hbm>>
        tpu.enqueue_dma source(%dma_start3A_305 : memref<128xi32, #tpu.memory_space<hbm>>) target(%arg14 : memref<128xi32, #tpu.memory_space<vmem>>) target_semaphore(%arg26 : memref<!tpu.dma_semaphore, #tpu.memory_space<semaphore_mem>>)
        %dma_start3A_306 = tpu.memref_slice %arg7[%add3A_303] : memref<327680xi32, #tpu.memory_space<hbm>> -> memref<128xi32, #tpu.memory_space<hbm>>
        %dma_start3A_307 = tpu.memref_slice %arg7[%add3A_303] : memref<327680xi32, #tpu.memory_space<hbm>> -> memref<128xi32, #tpu.memory_space<hbm>>
        tpu.enqueue_dma source(%dma_start3A_307 : memref<128xi32, #tpu.memory_space<hbm>>) target(%arg18 : memref<128xi32, #tpu.memory_space<vmem>>) target_semaphore(%arg26 : memref<!tpu.dma_semaphore, #tpu.memory_space<semaphore_mem>>)
        %dma_wait3A_308 = tpu.memref_slice %arg6[%mul3A_89] : memref<327680xi32, #tpu.memory_space<hbm>> -> memref<128xi32, #tpu.memory_space<hbm>>
        %dma_wait3A_309 = tpu.memref_slice %arg6[%mul3A_89] : memref<327680xi32, #tpu.memory_space<hbm>> -> memref<128xi32, #tpu.memory_space<hbm>>
        tpu.wait_dma2 semaphore(%arg28 : memref<!tpu.dma_semaphore, #tpu.memory_space<semaphore_mem>>) src(%dma_wait3A_309 : memref<128xi32, #tpu.memory_space<hbm>>) dst(%arg16 : memref<128xi32, #tpu.memory_space<vmem>>)
        %dma_wait3A_310 = tpu.memref_slice %arg7[%mul3A_89] : memref<327680xi32, #tpu.memory_space<hbm>> -> memref<128xi32, #tpu.memory_space<hbm>>
        %dma_wait3A_311 = tpu.memref_slice %arg7[%mul3A_89] : memref<327680xi32, #tpu.memory_space<hbm>> -> memref<128xi32, #tpu.memory_space<hbm>>
        tpu.wait_dma2 semaphore(%arg28 : memref<!tpu.dma_semaphore, #tpu.memory_space<semaphore_mem>>) src(%dma_wait3A_311 : memref<128xi32, #tpu.memory_space<hbm>>) dst(%arg20 : memref<128xi32, #tpu.memory_space<vmem>>)
        %dma_start3A_312 = arith.constant 0 : i32
        %dma_start3A_313 = arith.constant 0 : i32
        %dma_start3A_314 = tpu.memref_slice %arg5[%dma_start3A_312, %dma_start3A_313] : memref<10000x128xf32, #tpu.memory_space<hbm>> -> memref<10000x128xf32, #tpu.memory_space<hbm>>
        tpu.enqueue_indirect_dma source(%dma_start3A_314 : memref<10000x128xf32, #tpu.memory_space<hbm>>) target(%arg12 : memref<128x128xf32, #tpu.memory_space<vmem>>) offsets(%arg16 : memref<128xi32, #tpu.memory_space<vmem>>) semaphore(%arg22 : memref<!tpu.dma_semaphore, #tpu.memory_space<semaphore_mem>>)
        %dma_wait3A_315 = arith.constant 0 : i32
        %dma_wait3A_316 = arith.constant 0 : i32
        %dma_wait3A_317 = tpu.memref_slice %arg5[%dma_wait3A_315, %dma_wait3A_316] : memref<10000x128xf32, #tpu.memory_space<hbm>> -> memref<10000x128xf32, #tpu.memory_space<hbm>>
        tpu.wait_indirect_dma semaphore(%arg21 : memref<!tpu.dma_semaphore, #tpu.memory_space<semaphore_mem>>) src(%dma_wait3A_317 : memref<10000x128xf32, #tpu.memory_space<hbm>>) dst(%arg11 : memref<128x128xf32, #tpu.memory_space<vmem>>)
        %dma_start3A_318 = arith.constant 0 : i32
        %dma_start3A_319 = arith.constant 0 : i32
        %dma_start3A_320 = tpu.memref_slice %arg10[%dma_start3A_318, %dma_start3A_319] : memref<10240x128xf32, #tpu.memory_space<vmem_shared>> -> memref<10240x128xf32, #tpu.memory_space<vmem_shared>>
        tpu.enqueue_indirect_dma source(%arg11 : memref<128x128xf32, #tpu.memory_space<vmem>>) target(%dma_start3A_320 : memref<10240x128xf32, #tpu.memory_space<vmem_shared>>) offsets(%arg19 : memref<128xi32, #tpu.memory_space<vmem>>) semaphore(%arg23 : memref<!tpu.dma_semaphore, #tpu.memory_space<semaphore_mem>>) {add = true}
      }
      %scan3A_107 = arith.constant 40 : i32
      %dma_wait3A_108 = arith.constant 0 : i32
      %dma_wait3A_109 = arith.constant 0 : i32
      %dma_wait3A_110 = tpu.memref_slice %arg5[%dma_wait3A_108, %dma_wait3A_109] : memref<10000x128xf32, #tpu.memory_space<hbm>> -> memref<10000x128xf32, #tpu.memory_space<hbm>>
      tpu.wait_indirect_dma semaphore(%arg22 : memref<!tpu.dma_semaphore, #tpu.memory_space<semaphore_mem>>) src(%dma_wait3A_110 : memref<10000x128xf32, #tpu.memory_space<hbm>>) dst(%arg12 : memref<128x128xf32, #tpu.memory_space<vmem>>)
      %dma_start3A_111 = arith.constant 0 : i32
      %dma_start3A_112 = arith.constant 0 : i32
      %dma_start3A_113 = tpu.memref_slice %arg10[%dma_start3A_111, %dma_start3A_112] : memref<10240x128xf32, #tpu.memory_space<vmem_shared>> -> memref<10240x128xf32, #tpu.memory_space<vmem_shared>>
      tpu.enqueue_indirect_dma source(%arg12 : memref<128x128xf32, #tpu.memory_space<vmem>>) target(%dma_start3A_113 : memref<10240x128xf32, #tpu.memory_space<vmem_shared>>) offsets(%arg20 : memref<128xi32, #tpu.memory_space<vmem>>) semaphore(%arg24 : memref<!tpu.dma_semaphore, #tpu.memory_space<semaphore_mem>>) {add = true}
      %dma_wait3A_114 = arith.constant 0 : i32
      %dma_wait3A_115 = arith.constant 0 : i32
      %dma_wait3A_116 = tpu.memref_slice %arg10[%dma_wait3A_114, %dma_wait3A_115] : memref<10240x128xf32, #tpu.memory_space<vmem_shared>> -> memref<10240x128xf32, #tpu.memory_space<vmem_shared>>
      tpu.wait_indirect_dma semaphore(%arg23 : memref<!tpu.dma_semaphore, #tpu.memory_space<semaphore_mem>>) src(%arg11 : memref<128x128xf32, #tpu.memory_space<vmem>>) dst(%dma_wait3A_116 : memref<10240x128xf32, #tpu.memory_space<vmem_shared>>)
      %dma_wait3A_117 = arith.constant 0 : i32
      %dma_wait3A_118 = arith.constant 0 : i32
      %dma_wait3A_119 = tpu.memref_slice %arg10[%dma_wait3A_117, %dma_wait3A_118] : memref<10240x128xf32, #tpu.memory_space<vmem_shared>> -> memref<10240x128xf32, #tpu.memory_space<vmem_shared>>
      tpu.wait_indirect_dma semaphore(%arg24 : memref<!tpu.dma_semaphore, #tpu.memory_space<semaphore_mem>>) src(%arg12 : memref<128x128xf32, #tpu.memory_space<vmem>>) dst(%dma_wait3A_119 : memref<10240x128xf32, #tpu.memory_space<vmem_shared>>)
      %dma_wait3A_120 = tpu.memref_slice %arg6[%mul3A_89] : memref<327680xi32, #tpu.memory_space<hbm>> -> memref<128xi32, #tpu.memory_space<hbm>>
      %dma_wait3A_121 = tpu.memref_slice %arg6[%mul3A_89] : memref<327680xi32, #tpu.memory_space<hbm>> -> memref<128xi32, #tpu.memory_space<hbm>>
      tpu.wait_dma2 semaphore(%arg25 : memref<!tpu.dma_semaphore, #tpu.memory_space<semaphore_mem>>) src(%dma_wait3A_121 : memref<128xi32, #tpu.memory_space<hbm>>) dst(%arg13 : memref<128xi32, #tpu.memory_space<vmem>>)
      %dma_wait3A_122 = tpu.memref_slice %arg7[%mul3A_89] : memref<327680xi32, #tpu.memory_space<hbm>> -> memref<128xi32, #tpu.memory_space<hbm>>
      %dma_wait3A_123 = tpu.memref_slice %arg7[%mul3A_89] : memref<327680xi32, #tpu.memory_space<hbm>> -> memref<128xi32, #tpu.memory_space<hbm>>
      tpu.wait_dma2 semaphore(%arg25 : memref<!tpu.dma_semaphore, #tpu.memory_space<semaphore_mem>>) src(%dma_wait3A_123 : memref<128xi32, #tpu.memory_space<hbm>>) dst(%arg17 : memref<128xi32, #tpu.memory_space<vmem>>)
      %dma_wait3A_124 = tpu.memref_slice %arg6[%mul3A_89] : memref<327680xi32, #tpu.memory_space<hbm>> -> memref<128xi32, #tpu.memory_space<hbm>>
      %dma_wait3A_125 = tpu.memref_slice %arg6[%mul3A_89] : memref<327680xi32, #tpu.memory_space<hbm>> -> memref<128xi32, #tpu.memory_space<hbm>>
      tpu.wait_dma2 semaphore(%arg26 : memref<!tpu.dma_semaphore, #tpu.memory_space<semaphore_mem>>) src(%dma_wait3A_125 : memref<128xi32, #tpu.memory_space<hbm>>) dst(%arg14 : memref<128xi32, #tpu.memory_space<vmem>>)
      %dma_wait3A_126 = tpu.memref_slice %arg7[%mul3A_89] : memref<327680xi32, #tpu.memory_space<hbm>> -> memref<128xi32, #tpu.memory_space<hbm>>
      %dma_wait3A_127 = tpu.memref_slice %arg7[%mul3A_89] : memref<327680xi32, #tpu.memory_space<hbm>> -> memref<128xi32, #tpu.memory_space<hbm>>
      tpu.wait_dma2 semaphore(%arg26 : memref<!tpu.dma_semaphore, #tpu.memory_space<semaphore_mem>>) src(%dma_wait3A_127 : memref<128xi32, #tpu.memory_space<hbm>>) dst(%arg18 : memref<128xi32, #tpu.memory_space<vmem>>)
      %barrier3A_128 = arith.constant 0 : index
      tpu.barrier barrier_id(%barrier3A_128)
      %mul3A_129 = arith.constant 640 : i32
      %mul3A_130 = arith.muli %arg1, %mul3A_129 : i32
      %add3A_131 = arith.constant 0 : i32
      %add3A_132 = arith.addi %mul3A_130, %add3A_131 : i32
      %dma_start3A_133 = arith.constant 0 : i32
      %dma_start3A_134 = tpu.memref_slice %arg9[%add3A_132, %dma_start3A_133] : memref<10240x128xf32, #tpu.memory_space<hbm>> -> memref<128x128xf32, #tpu.memory_space<hbm>>
      %dma_start3A_135 = arith.constant 0 : i32
      %dma_start3A_136 = tpu.memref_slice %arg10[%add3A_132, %dma_start3A_135] : memref<10240x128xf32, #tpu.memory_space<vmem_shared>> -> memref<128x128xf32, #tpu.memory_space<vmem_shared>>
      tpu.enqueue_dma source(%dma_start3A_136 : memref<128x128xf32, #tpu.memory_space<vmem_shared>>) target(%dma_start3A_134 : memref<128x128xf32, #tpu.memory_space<hbm>>) target_semaphore(%arg26 : memref<!tpu.dma_semaphore, #tpu.memory_space<semaphore_mem>>)
      %mul3A_137 = arith.constant 640 : i32
      %mul3A_138 = arith.muli %arg1, %mul3A_137 : i32
      %add3A_139 = arith.constant 128 : i32
      %add3A_140 = arith.addi %mul3A_138, %add3A_139 : i32
      %dma_start3A_141 = arith.constant 0 : i32
      %dma_start3A_142 = tpu.memref_slice %arg9[%add3A_140, %dma_start3A_141] : memref<10240x128xf32, #tpu.memory_space<hbm>> -> memref<128x128xf32, #tpu.memory_space<hbm>>
      %dma_start3A_143 = arith.constant 0 : i32
      %dma_start3A_144 = tpu.memref_slice %arg10[%add3A_140, %dma_start3A_143] : memref<10240x128xf32, #tpu.memory_space<vmem_shared>> -> memref<128x128xf32, #tpu.memory_space<vmem_shared>>
      tpu.enqueue_dma source(%dma_start3A_144 : memref<128x128xf32, #tpu.memory_space<vmem_shared>>) target(%dma_start3A_142 : memref<128x128xf32, #tpu.memory_space<hbm>>) target_semaphore(%arg26 : memref<!tpu.dma_semaphore, #tpu.memory_space<semaphore_mem>>)
      %mul3A_145 = arith.constant 640 : i32
      %mul3A_146 = arith.muli %arg1, %mul3A_145 : i32
      %add3A_147 = arith.constant 256 : i32
      %add3A_148 = arith.addi %mul3A_146, %add3A_147 : i32
      %dma_start3A_149 = arith.constant 0 : i32
      %dma_start3A_150 = tpu.memref_slice %arg9[%add3A_148, %dma_start3A_149] : memref<10240x128xf32, #tpu.memory_space<hbm>> -> memref<128x128xf32, #tpu.memory_space<hbm>>
      %dma_start3A_151 = arith.constant 0 : i32
      %dma_start3A_152 = tpu.memref_slice %arg10[%add3A_148, %dma_start3A_151] : memref<10240x128xf32, #tpu.memory_space<vmem_shared>> -> memref<128x128xf32, #tpu.memory_space<vmem_shared>>
      tpu.enqueue_dma source(%dma_start3A_152 : memref<128x128xf32, #tpu.memory_space<vmem_shared>>) target(%dma_start3A_150 : memref<128x128xf32, #tpu.memory_space<hbm>>) target_semaphore(%arg26 : memref<!tpu.dma_semaphore, #tpu.memory_space<semaphore_mem>>)
      %mul3A_153 = arith.constant 640 : i32
      %mul3A_154 = arith.muli %arg1, %mul3A_153 : i32
      %add3A_155 = arith.constant 384 : i32
      %add3A_156 = arith.addi %mul3A_154, %add3A_155 : i32
      %dma_start3A_157 = arith.constant 0 : i32
      %dma_start3A_158 = tpu.memref_slice %arg9[%add3A_156, %dma_start3A_157] : memref<10240x128xf32, #tpu.memory_space<hbm>> -> memref<128x128xf32, #tpu.memory_space<hbm>>
      %dma_start3A_159 = arith.constant 0 : i32
      %dma_start3A_160 = tpu.memref_slice %arg10[%add3A_156, %dma_start3A_159] : memref<10240x128xf32, #tpu.memory_space<vmem_shared>> -> memref<128x128xf32, #tpu.memory_space<vmem_shared>>
      tpu.enqueue_dma source(%dma_start3A_160 : memref<128x128xf32, #tpu.memory_space<vmem_shared>>) target(%dma_start3A_158 : memref<128x128xf32, #tpu.memory_space<hbm>>) target_semaphore(%arg26 : memref<!tpu.dma_semaphore, #tpu.memory_space<semaphore_mem>>)
      %mul3A_161 = arith.constant 640 : i32
      %mul3A_162 = arith.muli %arg1, %mul3A_161 : i32
      %add3A_163 = arith.constant 512 : i32
      %add3A_164 = arith.addi %mul3A_162, %add3A_163 : i32
      %dma_start3A_165 = arith.constant 0 : i32
      %dma_start3A_166 = tpu.memref_slice %arg9[%add3A_164, %dma_start3A_165] : memref<10240x128xf32, #tpu.memory_space<hbm>> -> memref<128x128xf32, #tpu.memory_space<hbm>>
      %dma_start3A_167 = arith.constant 0 : i32
      %dma_start3A_168 = tpu.memref_slice %arg10[%add3A_164, %dma_start3A_167] : memref<10240x128xf32, #tpu.memory_space<vmem_shared>> -> memref<128x128xf32, #tpu.memory_space<vmem_shared>>
      tpu.enqueue_dma source(%dma_start3A_168 : memref<128x128xf32, #tpu.memory_space<vmem_shared>>) target(%dma_start3A_166 : memref<128x128xf32, #tpu.memory_space<hbm>>) target_semaphore(%arg26 : memref<!tpu.dma_semaphore, #tpu.memory_space<semaphore_mem>>)
      %dma_wait3A_169 = arith.constant 0 : i32
      %dma_wait3A_170 = arith.constant 0 : i32
      %dma_wait3A_171 = tpu.memref_slice %arg9[%dma_wait3A_169, %dma_wait3A_170] : memref<10240x128xf32, #tpu.memory_space<hbm>> -> memref<128x128xf32, #tpu.memory_space<hbm>>
      %dma_wait3A_172 = arith.constant 0 : i32
      %dma_wait3A_173 = arith.constant 0 : i32
      %dma_wait3A_174 = tpu.memref_slice %arg10[%dma_wait3A_172, %dma_wait3A_173] : memref<10240x128xf32, #tpu.memory_space<vmem_shared>> -> memref<128x128xf32, #tpu.memory_space<vmem_shared>>
      tpu.wait_dma2 semaphore(%arg26 : memref<!tpu.dma_semaphore, #tpu.memory_space<semaphore_mem>>) src(%dma_wait3A_174 : memref<128x128xf32, #tpu.memory_space<vmem_shared>>) dst(%dma_wait3A_171 : memref<128x128xf32, #tpu.memory_space<hbm>>)
      %dma_wait3A_175 = arith.constant 128 : i32
      %dma_wait3A_176 = arith.constant 0 : i32
      %dma_wait3A_177 = tpu.memref_slice %arg9[%dma_wait3A_175, %dma_wait3A_176] : memref<10240x128xf32, #tpu.memory_space<hbm>> -> memref<128x128xf32, #tpu.memory_space<hbm>>
      %dma_wait3A_178 = arith.constant 128 : i32
      %dma_wait3A_179 = arith.constant 0 : i32
      %dma_wait3A_180 = tpu.memref_slice %arg10[%dma_wait3A_178, %dma_wait3A_179] : memref<10240x128xf32, #tpu.memory_space<vmem_shared>> -> memref<128x128xf32, #tpu.memory_space<vmem_shared>>
      tpu.wait_dma2 semaphore(%arg26 : memref<!tpu.dma_semaphore, #tpu.memory_space<semaphore_mem>>) src(%dma_wait3A_180 : memref<128x128xf32, #tpu.memory_space<vmem_shared>>) dst(%dma_wait3A_177 : memref<128x128xf32, #tpu.memory_space<hbm>>)
      %dma_wait3A_181 = arith.constant 256 : i32
      %dma_wait3A_182 = arith.constant 0 : i32
      %dma_wait3A_183 = tpu.memref_slice %arg9[%dma_wait3A_181, %dma_wait3A_182] : memref<10240x128xf32, #tpu.memory_space<hbm>> -> memref<128x128xf32, #tpu.memory_space<hbm>>
      %dma_wait3A_184 = arith.constant 256 : i32
      %dma_wait3A_185 = arith.constant 0 : i32
      %dma_wait3A_186 = tpu.memref_slice %arg10[%dma_wait3A_184, %dma_wait3A_185] : memref<10240x128xf32, #tpu.memory_space<vmem_shared>> -> memref<128x128xf32, #tpu.memory_space<vmem_shared>>
      tpu.wait_dma2 semaphore(%arg26 : memref<!tpu.dma_semaphore, #tpu.memory_space<semaphore_mem>>) src(%dma_wait3A_186 : memref<128x128xf32, #tpu.memory_space<vmem_shared>>) dst(%dma_wait3A_183 : memref<128x128xf32, #tpu.memory_space<hbm>>)
      %dma_wait3A_187 = arith.constant 384 : i32
      %dma_wait3A_188 = arith.constant 0 : i32
      %dma_wait3A_189 = tpu.memref_slice %arg9[%dma_wait3A_187, %dma_wait3A_188] : memref<10240x128xf32, #tpu.memory_space<hbm>> -> memref<128x128xf32, #tpu.memory_space<hbm>>
      %dma_wait3A_190 = arith.constant 384 : i32
      %dma_wait3A_191 = arith.constant 0 : i32
      %dma_wait3A_192 = tpu.memref_slice %arg10[%dma_wait3A_190, %dma_wait3A_191] : memref<10240x128xf32, #tpu.memory_space<vmem_shared>> -> memref<128x128xf32, #tpu.memory_space<vmem_shared>>
      tpu.wait_dma2 semaphore(%arg26 : memref<!tpu.dma_semaphore, #tpu.memory_space<semaphore_mem>>) src(%dma_wait3A_192 : memref<128x128xf32, #tpu.memory_space<vmem_shared>>) dst(%dma_wait3A_189 : memref<128x128xf32, #tpu.memory_space<hbm>>)
      %dma_wait3A_193 = arith.constant 512 : i32
      %dma_wait3A_194 = arith.constant 0 : i32
      %dma_wait3A_195 = tpu.memref_slice %arg9[%dma_wait3A_193, %dma_wait3A_194] : memref<10240x128xf32, #tpu.memory_space<hbm>> -> memref<128x128xf32, #tpu.memory_space<hbm>>
      %dma_wait3A_196 = arith.constant 512 : i32
      %dma_wait3A_197 = arith.constant 0 : i32
      %dma_wait3A_198 = tpu.memref_slice %arg10[%dma_wait3A_196, %dma_wait3A_197] : memref<10240x128xf32, #tpu.memory_space<vmem_shared>> -> memref<128x128xf32, #tpu.memory_space<vmem_shared>>
      tpu.wait_dma2 semaphore(%arg26 : memref<!tpu.dma_semaphore, #tpu.memory_space<semaphore_mem>>) src(%dma_wait3A_198 : memref<128x128xf32, #tpu.memory_space<vmem_shared>>) dst(%dma_wait3A_195 : memref<128x128xf32, #tpu.memory_space<hbm>>)
    } else {
    }
    return
  }
}

module attributes {stable_mosaic.version = 14 : i64} {
  func.func @_epi_body(%arg0: i32, %arg1: memref<1000x128xf32, #tpu.memory_space<vmem>>, %arg2: memref<1000x128xf32, #tpu.memory_space<vmem>>, %arg3: memref<1000x128xf32, #tpu.memory_space<vmem>>) attributes {dimension_semantics = [#tpu.dimension_semantics<arbitrary>], iteration_bounds = array<i64: 10>, scalar_prefetch = 0 : i64, scratch_operands = 0 : i64, tpu.core_type = #tpu.core_type<tc>, window_params = [{transform_indices = @transform_0, window_bounds = array<i64: 1000, 128>}, {transform_indices = @transform_1, window_bounds = array<i64: 1000, 128>}, {transform_indices = @transform_2, window_bounds = array<i64: 1000, 128>}]} {
    %get3A = arith.constant 0 : index
    %get3A_0 = arith.constant 0 : index
    %get3A_1 = vector.load %arg1[%get3A, %get3A_0] : memref<1000x128xf32, #tpu.memory_space<vmem>>, vector<1000x128xf32>
    %max3A = arith.constant 0.000000e+00 : f32
    %max3A_2 = vector.broadcast %max3A : f32 to vector<1000x128xf32>
    %max3A_3 = arith.maximumf %get3A_1, %max3A_2 : vector<1000x128xf32>
    %get3A_4 = arith.constant 0 : index
    %get3A_5 = arith.constant 0 : index
    %get3A_6 = vector.load %arg2[%get3A_4, %get3A_5] : memref<1000x128xf32, #tpu.memory_space<vmem>>, vector<1000x128xf32>
    %max3A_7 = arith.constant 0.000000e+00 : f32
    %max3A_8 = vector.broadcast %max3A_7 : f32 to vector<1000x128xf32>
    %max3A_9 = arith.maximumf %get3A_6, %max3A_8 : vector<1000x128xf32>
    %add3A = arith.addf %max3A_3, %max3A_9 : vector<1000x128xf32>
    %mul3A = arith.mulf %add3A, %add3A : vector<1000x128xf32>
    %reduce_sum3A = arith.constant dense<0.000000e+00> : vector<1000xf32>
    %reduce_sum3A_10 = vector.multi_reduction <add>, %mul3A, %reduce_sum3A [1] : vector<1000x128xf32> to vector<1000xf32>
    %broadcast_in_dim3A = vector.shape_cast %reduce_sum3A_10 : vector<1000xf32> to vector<1000x1xf32>
    %sqrt3A = math.sqrt %broadcast_in_dim3A : vector<1000x1xf32>
    %max3A_11 = arith.constant 9.99999996E-13 : f32
    %max3A_12 = vector.broadcast %max3A_11 : f32 to vector<1000x1xf32>
    %max3A_13 = arith.maximumf %sqrt3A, %max3A_12 : vector<1000x1xf32>
    %div3A = vector.broadcast %max3A_13 : vector<1000x1xf32> to vector<1000x128xf32>
    %div3A_14 = arith.divf %add3A, %div3A : vector<1000x128xf32>
    %swap3A = arith.constant 0 : index
    %swap3A_15 = arith.constant 0 : index
    %swap3A_16 = vector.load %arg3[%swap3A, %swap3A_15] : memref<1000x128xf32, #tpu.memory_space<vmem>>, vector<1000x128xf32>
    tpu.vector_store %arg3[%swap3A, %swap3A_15], %div3A_14 {strides = array<i32>} : memref<1000x128xf32, #tpu.memory_space<vmem>>, vector<1000x128xf32>,
    return
  }
  func.func @transform_0(%arg0: i32) -> (i32, i32) {
    %c0_i32 = arith.constant 0 : i32
    %c0_i32_0 = arith.constant 0 : i32
    return %arg0, %c0_i32 : i32, i32
  }
  func.func @transform_1(%arg0: i32) -> (i32, i32) {
    %c0_i32 = arith.constant 0 : i32
    %c0_i32_0 = arith.constant 0 : i32
    return %arg0, %c0_i32 : i32, i32
  }
  func.func @transform_2(%arg0: i32) -> (i32, i32) {
    %c0_i32 = arith.constant 0 : i32
    %c0_i32_0 = arith.constant 0 : i32
    return %arg0, %c0_i32 : i32, i32
  }
}

module attributes {stable_mosaic.version = 14 : i64} {
  func.func @_mm_body(%arg0: i32, %arg1: memref<1000x128xf32, #tpu.memory_space<vmem>>, %arg2: memref<128x128xf32, #tpu.memory_space<vmem>>, %arg3: memref<128x128xf32, #tpu.memory_space<vmem>>, %arg4: memref<2x32768xi32, #tpu.memory_space<vmem>>, %arg5: memref<2x32768xi32, #tpu.memory_space<vmem>>, %arg6: memref<7680xi32, #tpu.memory_space<vmem>>, %arg7: memref<7680xi32, #tpu.memory_space<vmem>>, %arg8: memref<1000x128xf32, #tpu.memory_space<vmem>>, %arg9: memref<1000x128xf32, #tpu.memory_space<vmem>>, %arg10: memref<32768xi32, #tpu.memory_space<vmem>>, %arg11: memref<32768xi32, #tpu.memory_space<vmem>>, %arg12: memref<32768xi32, #tpu.memory_space<vmem>>, %arg13: memref<32768xi32, #tpu.memory_space<vmem>>) attributes {dimension_semantics = [#tpu.dimension_semantics<arbitrary>], iteration_bounds = array<i64: 10>, scalar_prefetch = 0 : i64, scratch_operands = 0 : i64, tpu.core_type = #tpu.core_type<tc>, window_params = [{transform_indices = @transform_0, window_bounds = array<i64: 1000, 128>}, {pipeline_mode = #tpu.pipeline_mode<synchronous>, transform_indices = @transform_1, window_bounds = array<i64: 128, 128>}, {pipeline_mode = #tpu.pipeline_mode<synchronous>, transform_indices = @transform_2, window_bounds = array<i64: 128, 128>}, {transform_indices = @transform_3, window_bounds = array<i64: 2, 32768>}, {transform_indices = @transform_4, window_bounds = array<i64: 2, 32768>}, {pipeline_mode = #tpu.pipeline_mode<synchronous>, transform_indices = @transform_5, window_bounds = array<i64: 7680>}, {pipeline_mode = #tpu.pipeline_mode<synchronous>, transform_indices = @transform_6, window_bounds = array<i64: 7680>}, {transform_indices = @transform_7, window_bounds = array<i64: 1000, 128>}, {transform_indices = @transform_8, window_bounds = array<i64: 1000, 128>}, {transform_indices = @transform_9, window_bounds = array<i64: 32768>}, {transform_indices = @transform_10, window_bounds = array<i64: 32768>}, {transform_indices = @transform_11, window_bounds = array<i64: 32768>}, {transform_indices = @transform_12, window_bounds = array<i64: 32768>}]} {
    %get3A = arith.constant 0 : index
    %get3A_0 = arith.constant 0 : index
    %get3A_1 = vector.load %arg1[%get3A, %get3A_0] : memref<1000x128xf32, #tpu.memory_space<vmem>>, vector<1000x128xf32>
    %convert_element_type3A = arith.truncf %get3A_1 : vector<1000x128xf32> to vector<1000x128xbf16>
    %get3A_2 = arith.constant 0 : index
    %get3A_3 = arith.constant 0 : index
    %get3A_4 = vector.load %arg2[%get3A_2, %get3A_3] : memref<128x128xf32, #tpu.memory_space<vmem>>, vector<128x128xf32>
    %convert_element_type3A_5 = arith.truncf %get3A_4 : vector<128x128xf32> to vector<128x128xbf16>
    %get3A_6 = arith.constant 0 : index
    %get3A_7 = arith.constant 0 : index
    %get3A_8 = vector.load %arg3[%get3A_6, %get3A_7] : memref<128x128xf32, #tpu.memory_space<vmem>>, vector<128x128xf32>
    %convert_element_type3A_9 = arith.truncf %get3A_8 : vector<128x128xf32> to vector<128x128xbf16>
    %dot_general3A = arith.constant dense<0.000000e+00> : vector<1000x128xf32>
    %dot_general3A_10 = tpu.matmul %convert_element_type3A, %convert_element_type3A_5, %dot_general3A {dimension_numbers = #tpu.dot_dimension_numbers<[1], [0], [0], [1], [0, 0, 1, 1], [], []>, transpose_lhs_hint = false} : vector<1000x128xbf16>, vector<128x128xbf16>, vector<1000x128xf32> -> vector<1000x128xf32>
    %swap3A = arith.constant 0 : index
    %swap3A_11 = arith.constant 0 : index
    %swap3A_12 = vector.load %arg8[%swap3A, %swap3A_11] : memref<1000x128xf32, #tpu.memory_space<vmem>>, vector<1000x128xf32>
    tpu.vector_store %arg8[%swap3A, %swap3A_11], %dot_general3A_10 {strides = array<i32>} : memref<1000x128xf32, #tpu.memory_space<vmem>>, vector<1000x128xf32>,
    %dot_general3A_13 = arith.constant dense<0.000000e+00> : vector<1000x128xf32>
    %dot_general3A_14 = tpu.matmul %convert_element_type3A, %convert_element_type3A_9, %dot_general3A_13 {dimension_numbers = #tpu.dot_dimension_numbers<[1], [0], [0], [1], [0, 0, 1, 1], [], []>, transpose_lhs_hint = false} : vector<1000x128xbf16>, vector<128x128xbf16>, vector<1000x128xf32> -> vector<1000x128xf32>
    %swap3A_15 = arith.constant 0 : index
    %swap3A_16 = arith.constant 0 : index
    %swap3A_17 = vector.load %arg9[%swap3A_15, %swap3A_16] : memref<1000x128xf32, #tpu.memory_space<vmem>>, vector<1000x128xf32>
    tpu.vector_store %arg9[%swap3A_15, %swap3A_16], %dot_general3A_14 {strides = array<i32>} : memref<1000x128xf32, #tpu.memory_space<vmem>>, vector<1000x128xf32>,
    %get3A_18 = arith.constant 0 : index
    %get3A_19 = arith.constant 0 : index
    %get3A_20 = vector.load %arg4[%get3A_18, %get3A_19] : memref<2x32768xi32, #tpu.memory_space<vmem>>, vector<1x32768xi32>
    %get3A_21 = vector.shape_cast %get3A_20 : vector<1x32768xi32> to vector<32768xi32>
    %swap3A_22 = arith.constant 0 : index
    %swap3A_23 = vector.load %arg10[%swap3A_22] : memref<32768xi32, #tpu.memory_space<vmem>>, vector<32768xi32>
    tpu.vector_store %arg10[%swap3A_22], %get3A_21 {strides = array<i32>} : memref<32768xi32, #tpu.memory_space<vmem>>, vector<32768xi32>,
    %get3A_24 = arith.constant 1 : index
    %get3A_25 = arith.constant 0 : index
    %get3A_26 = vector.load %arg4[%get3A_24, %get3A_25] : memref<2x32768xi32, #tpu.memory_space<vmem>>, vector<1x32768xi32>
    %get3A_27 = vector.shape_cast %get3A_26 : vector<1x32768xi32> to vector<32768xi32>
    %swap3A_28 = arith.constant 0 : index
    %swap3A_29 = vector.load %arg11[%swap3A_28] : memref<32768xi32, #tpu.memory_space<vmem>>, vector<32768xi32>
    tpu.vector_store %arg11[%swap3A_28], %get3A_27 {strides = array<i32>} : memref<32768xi32, #tpu.memory_space<vmem>>, vector<32768xi32>,
    %get3A_30 = arith.constant 0 : index
    %get3A_31 = arith.constant 0 : index
    %get3A_32 = vector.load %arg5[%get3A_30, %get3A_31] : memref<2x32768xi32, #tpu.memory_space<vmem>>, vector<1x32768xi32>
    %get3A_33 = vector.shape_cast %get3A_32 : vector<1x32768xi32> to vector<32768xi32>
    %swap3A_34 = arith.constant 0 : index
    %swap3A_35 = vector.load %arg12[%swap3A_34] : memref<32768xi32, #tpu.memory_space<vmem>>, vector<32768xi32>
    tpu.vector_store %arg12[%swap3A_34], %get3A_33 {strides = array<i32>} : memref<32768xi32, #tpu.memory_space<vmem>>, vector<32768xi32>,
    %get3A_36 = arith.constant 1 : index
    %get3A_37 = arith.constant 0 : index
    %get3A_38 = vector.load %arg5[%get3A_36, %get3A_37] : memref<2x32768xi32, #tpu.memory_space<vmem>>, vector<1x32768xi32>
    %get3A_39 = vector.shape_cast %get3A_38 : vector<1x32768xi32> to vector<32768xi32>
    %swap3A_40 = arith.constant 0 : index
    %swap3A_41 = vector.load %arg13[%swap3A_40] : memref<32768xi32, #tpu.memory_space<vmem>>, vector<32768xi32>
    tpu.vector_store %arg13[%swap3A_40], %get3A_39 {strides = array<i32>} : memref<32768xi32, #tpu.memory_space<vmem>>, vector<32768xi32>,
    %eq3A = arith.constant 9 : i32
    %eq3A_42 = arith.cmpi eq, %arg0, %eq3A : i32
    %convert_element_type3A_43 = arith.extui %eq3A_42 : i1 to i32
    %cond3A = arith.constant 0 : i32
    %cond3A_44 = arith.cmpi ne, %convert_element_type3A_43, %cond3A : i32
    scf.if %cond3A_44 {
      %get3A_45 = arith.constant 0 : index
      %get3A_46 = vector.load %arg6[%get3A_45] : memref<7680xi32, #tpu.memory_space<vmem>>, vector<7680xi32>
      %swap3A_47 = arith.constant 25088 : index
      %swap3A_48 = vector.load %arg10[%swap3A_47] : memref<32768xi32, #tpu.memory_space<vmem>>, vector<7680xi32>
      tpu.vector_store %arg10[%swap3A_47], %get3A_46 {strides = array<i32>} : memref<32768xi32, #tpu.memory_space<vmem>>, vector<7680xi32>,
      %get3A_49 = arith.constant 0 : index
      %get3A_50 = vector.load %arg7[%get3A_49] : memref<7680xi32, #tpu.memory_space<vmem>>, vector<7680xi32>
      %swap3A_51 = arith.constant 25088 : index
      %swap3A_52 = vector.load %arg11[%swap3A_51] : memref<32768xi32, #tpu.memory_space<vmem>>, vector<7680xi32>
      tpu.vector_store %arg11[%swap3A_51], %get3A_50 {strides = array<i32>} : memref<32768xi32, #tpu.memory_space<vmem>>, vector<7680xi32>,
      %get3A_53 = arith.constant 0 : index
      %get3A_54 = vector.load %arg6[%get3A_53] : memref<7680xi32, #tpu.memory_space<vmem>>, vector<7680xi32>
      %swap3A_55 = arith.constant 25088 : index
      %swap3A_56 = vector.load %arg12[%swap3A_55] : memref<32768xi32, #tpu.memory_space<vmem>>, vector<7680xi32>
      tpu.vector_store %arg12[%swap3A_55], %get3A_54 {strides = array<i32>} : memref<32768xi32, #tpu.memory_space<vmem>>, vector<7680xi32>,
      %get3A_57 = arith.constant 0 : index
      %get3A_58 = vector.load %arg7[%get3A_57] : memref<7680xi32, #tpu.memory_space<vmem>>, vector<7680xi32>
      %swap3A_59 = arith.constant 25088 : index
      %swap3A_60 = vector.load %arg13[%swap3A_59] : memref<32768xi32, #tpu.memory_space<vmem>>, vector<7680xi32>
      tpu.vector_store %arg13[%swap3A_59], %get3A_58 {strides = array<i32>} : memref<32768xi32, #tpu.memory_space<vmem>>, vector<7680xi32>,
    } else {
    }
    return
  }
  func.func @transform_0(%arg0: i32) -> (i32, i32) {
    %c0_i32 = arith.constant 0 : i32
    %c0_i32_0 = arith.constant 0 : i32
    return %arg0, %c0_i32 : i32, i32
  }
  func.func @transform_1(%arg0: i32) -> (i32, i32) {
    %c0_i32 = arith.constant 0 : i32
    %c0_i32_0 = arith.constant 0 : i32
    %c0_i32_1 = arith.constant 0 : i32
    return %c0_i32, %c0_i32_0 : i32, i32
  }
  func.func @transform_2(%arg0: i32) -> (i32, i32) {
    %c0_i32 = arith.constant 0 : i32
    %c0_i32_0 = arith.constant 0 : i32
    %c0_i32_1 = arith.constant 0 : i32
    return %c0_i32, %c0_i32_0 : i32, i32
  }
  func.func @transform_3(%arg0: i32) -> (i32, i32) {
    %c0_i32 = arith.constant 0 : i32
    %c0_i32_0 = arith.constant 0 : i32
    return %c0_i32, %arg0 : i32, i32
  }
  func.func @transform_4(%arg0: i32) -> (i32, i32) {
    %c0_i32 = arith.constant 0 : i32
    %c0_i32_0 = arith.constant 0 : i32
    return %c0_i32, %arg0 : i32, i32
  }
  func.func @transform_5(%arg0: i32) -> i32 {
    %c0_i32 = arith.constant 0 : i32
    %c0_i32_0 = arith.constant 0 : i32
    return %c0_i32 : i32
  }
  func.func @transform_6(%arg0: i32) -> i32 {
    %c0_i32 = arith.constant 0 : i32
    %c0_i32_0 = arith.constant 0 : i32
    return %c0_i32 : i32
  }
  func.func @transform_7(%arg0: i32) -> (i32, i32) {
    %c0_i32 = arith.constant 0 : i32
    %c0_i32_0 = arith.constant 0 : i32
    return %arg0, %c0_i32 : i32, i32
  }
  func.func @transform_8(%arg0: i32) -> (i32, i32) {
    %c0_i32 = arith.constant 0 : i32
    %c0_i32_0 = arith.constant 0 : i32
    return %arg0, %c0_i32 : i32, i32
  }
  func.func @transform_9(%arg0: i32) -> i32 {
    %c0_i32 = arith.constant 0 : i32
    return %arg0 : i32
  }
  func.func @transform_10(%arg0: i32) -> i32 {
    %c0_i32 = arith.constant 0 : i32
    return %arg0 : i32
  }
  func.func @transform_11(%arg0: i32) -> i32 {
    %c0_i32 = arith.constant 0 : i32
    return %arg0 : i32
  }
  func.func @transform_12(%arg0: i32) -> i32 {
    %c0_i32 = arith.constant 0 : i32
    return %arg0 : i32
  }
}

</mosaic_0001>

<sc_bundles>
// kernel: kernel.5.cloned.1.call-start
scs
__scs_entry_jumppad:
0x0: {  	(pc) =	sbr.rel $0x88, $3  }
0x1: {  	(tag) =	ssettag $0x0;
	lr =	simm.s32 $0x1  }
0x2: {  	[smem:$0x3F9C] =	sst lr;
	_ =	strace $0xD0000000  }
0x3: {  	_ = 	snop  }
0x4: {  	_ = 	snop  }
0x5: {  	_ = 	snop  }
0x6: {  	_ = 	snop  }
0x7: {  	_ = 	snop  }
__scs_overlays_trampoline_lowered:
0x8: {  	[smem:$0x3FAB] =	sst s0  }
0x9: {  	[smem:$0x3FAC] =	sst s1  }
0xa: {  	[smem:$0x3FAD] =	sst s2  }
0xb: {  	[smem:$0x3FAE] =	sst s3  }
0xc: {  	[smem:$0x3FAF] =	sst s4  }
0xd: {  	[smem:$0x3FB0] =	sst s5  }
0xe: {  	[smem:$0x3FB1] =	sst s6  }
0xf: {  	[smem:$0x3FB2] =	sst s7  }
0x10: {  	[smem:$0x3FB3] =	sst s8  }
0x11: {  	[smem:$0x3FB4] =	sst s9;
	s0 =	simm.s32 @!p0 $0x0  }
0x12: {  	s1 =	sld [smem:$0x3F9A];
	s0 =	simm.s32 @p0 $0x1  }
0x13: {  	[smem:$0x3FB5] =	sst s0;
	s0 =	simm.s32 @!p1 $0x0  }
0x14: {  	s2 =	sld [smem:$0x3F99];
	s0 =	simm.s32 @p1 $0x1  }
0x15: {  	[smem:$0x3FB6] =	sst s0;
	s0 =	simm.s32 @!p2 $0x0  }
0x16: {  	s3 =	sld [smem:$0x3FDB];
	s0 =	simm.s32 @p2 $0x1  }
0x17: {  	s4 =	simm.s32 $0x1BF5;
	[smem:$0x3FB8] =	sst s0  }
0x18: {  	s0 =	sld [smem:$0x3F9B];
	_ =	swait.ge [sflag:s4], $0x0  }
0x19: {  	s7 =	sld [smem:$0x3F9C]  }
0x1a: {  	s8 =	sadd.s32 $0xFFFFE003, lr  }
0x1b: {  	s9 =	sadd.s32 $0xFFFFFEF7, lr;
	s5 =	simm.s32 $0xFFFFFFFF;
	p2 =	slt.u32 s8, $0xFFFFF086  }
0x1c: {  	p1 =	slt.u32 s9, $0xF7A;
	s5 =	simm.s32 @!p2 $0x0  }
0x1d: {  	s5 =	simm.s32 @p1 $0x1;
	p0 =	seq.s32 s7, s2  }
0x1e: {  	s7 =	smul.u32 @!p0 $0xF7A, s2;
	p2 =	seq.s32 @!p0 s5, $0x0  }
0x1f: {  	s9 =	smul.u32 $0xF7A, s1;
	s8 =	simm.s32 @!p0 $0x1BF5;
	p2 =	por !p2, p0  }
0x20: {  	[sflag:s8] =	ssyncset.s32 @!p0 $0xFFFFF086;
	s6 =	sadd.s32 @!p0 s3, s7;
	s7 =	simm.s32 @!p0 $0x108  }
0x21: {  	s3 =	sadd.s32 s3, s9;
	s6 =	sadd.s32 @!p0 $0x88, s6;
	s7 =	simm.s32 @p2 $0x1082  }
0x22: {  	[simem:s7], [sflag:s8] =	dma.local @!p0 [hbm:s6], $0xF7A  }
0x23: {  	s9 =	sor.u32 $0xD0000000, s2;
	s6 =	simm.s32 $0x108;
	_ =	swait.ge @!p0 [sflag:s8], $0x0  }
0x24: {  	s3 =	sadd.s32 $0x88, s3;
	s6 =	simm.s32 @!p1 $0x1082;
	[sflag:s4] =	ssyncset.s32 $0xFFFFF086  }
0x25: {  	[simem:s6], [sflag:s4] =	dma.local [hbm:s3], $0xF7A  }
0x26: {  	[smem:$0x3F9C] =	sst s1;
	(tag) =	ssettag s2;
	_ =	strace s9  }
0x27: {  	s1 =	sld [smem:$0x3FAC]  }
0x28: {  	s2 =	sld [smem:$0x3FAD]  }
0x29: {  	s4 =	sld [smem:$0x3FAF]  }
0x2a: {  	p0 =	seq.s32 s5, $0x0;
	s5 =	sld [smem:$0x3FB0]  }
0x2b: {  	s6 =	sld [smem:$0x3FB1]  }
0x2c: {  	s7 =	sld [smem:$0x3FB2]  }
0x2d: {  	s3 =	simm.s32 $0x108;
	s8 =	sld [smem:$0x3FB3]  }
0x2e: {  	s3 =	simm.s32 @!p0 $0x1082;
	s9 =	sld [smem:$0x3FB4]  }
0x2f: {  	lr =	sadd.s32 s0, s3;
	s0 =	sld [smem:$0x3FAB]  }
0x30: {  	s3 =	sld [smem:$0x3FAE]  }
0x31: {  	[smem:$0x3FB7] =	sst s10  }
0x32: {  	s10 =	sld [smem:$0x3FB5];
	_ =	sdelay $0x3  }
0x33: {  	p0 =	seq.s32 s10, $0x1;
	s10 =	sld [smem:$0x3FB7];
	_ =	sdelay $0x3  }
0x34: {  	[smem:$0x3FB7] =	sst s10  }
0x35: {  	s10 =	sld [smem:$0x3FB6];
	_ =	sdelay $0x3  }
0x36: {  	p1 =	seq.s32 s10, $0x1;
	s10 =	sld [smem:$0x3FB7];
	_ =	sdelay $0x3  }
0x37: {  	[smem:$0x3FB7] =	sst s10  }
0x38: {  	s10 =	sld [smem:$0x3FB8]  }
0x39: {  	_ = 	snop;
	(pc) =	sbr.ind lr, $3  }
0x3a: {  	_ = 	snop  }
0x3b: {  	_ = 	snop  }
0x3c: {  	p2 =	seq.s32 s10, $0x1;
	s10 =	sld [smem:$0x3FB7]  }
0x3d: {  	_ =	shalt  }
0x3e: {  	_ =	shalt  }
0x3f: {  	_ =	shalt  }
0x40: {  	_ =	shalt  }
0x41: {  	_ =	shalt  }
0x42: {  	_ =	shalt  }
0x43: {  	_ =	shalt  }
0x44: {  	_ =	shalt  }
0x45: {  	_ =	shalt  }
0x46: {  	_ =	shalt  }
0x47: {  	_ =	shalt  }
0x48: {  	_ =	shalt  }
0x49: {  	_ =	shalt  }
0x4a: {  	_ =	shalt  }
0x4b: {  	_ =	shalt  }
0x4c: {  	_ =	shalt  }
0x4d: {  	_ =	shalt  }
0x4e: {  	_ =	shalt  }
0x4f: {  	_ =	shalt  }
0x50: {  	_ =	shalt  }
0x51: {  	_ =	shalt  }
0x52: {  	_ =	shalt  }
0x53: {  	_ =	shalt  }
0x54: {  	_ =	shalt  }
0x55: {  	_ =	shalt  }
0x56: {  	_ =	shalt  }
0x57: {  	_ =	shalt  }
0x58: {  	_ =	shalt  }
0x59: {  	_ =	shalt  }
0x5a: {  	_ =	shalt  }
0x5b: {  	_ =	shalt  }
0x5c: {  	_ =	shalt  }
0x5d: {  	_ =	shalt  }
0x5e: {  	_ =	shalt  }
0x5f: {  	_ =	shalt  }
0x60: {  	_ =	shalt  }
0x61: {  	_ =	shalt  }
0x62: {  	_ =	shalt  }
0x63: {  	_ =	shalt  }
0x64: {  	_ =	shalt  }
0x65: {  	_ =	shalt  }
0x66: {  	_ =	shalt  }
0x67: {  	_ =	shalt  }
0x68: {  	_ =	shalt  }
0x69: {  	_ =	shalt  }
0x6a: {  	_ =	shalt  }
0x6b: {  	_ =	shalt  }
0x6c: {  	_ =	shalt  }
0x6d: {  	_ =	shalt  }
0x6e: {  	_ =	shalt  }
0x6f: {  	_ =	shalt  }
0x70: {  	_ =	shalt  }
0x71: {  	_ =	shalt  }
0x72: {  	_ =	shalt  }
0x73: {  	_ =	shalt  }
0x74: {  	_ =	shalt  }
0x75: {  	_ =	shalt  }
0x76: {  	_ =	shalt  }
0x77: {  	_ =	shalt  }
0x78: {  	_ =	shalt  }
0x79: {  	_ =	shalt  }
0x7a: {  	_ =	shalt  }
0x7b: {  	_ =	shalt  }
0x7c: {  	_ =	shalt  }
0x7d: {  	_ =	shalt  }
0x7e: {  	_ =	shalt  }
0x7f: {  	_ =	shalt  }
0x80: {  	_ =	shalt  }
0x81: {  	_ =	shalt  }
0x82: {  	_ =	shalt  }
0x83: {  	_ =	shalt  }
0x84: {  	_ =	shalt  }
0x85: {  	_ =	shalt  }
0x86: {  	_ =	shalt  }
0x87: {  	_ =	shalt  }
.Lfunc_end0:
.L_simem_size_0:
called_computation_lowered:
.L_overlay_start_0:
0x88: {  	s2 =	sld [smem:$0x3FD9]  }
0x89: {  	s3 =	sld [smem:$0x3FFE];
	_ =	sdelay $0x1  }
0x8a: {  	s1 =	srdreg.scid  }
0x8b: {  	s0 =	sand.u32 $0x1, s1  }
0x8c: {  	s17 =	sshll.u32 s0, $0xA;
	s2 =	sadd.s32 s3, s2  }
0x8d: {  	s2 =	sadd.s32 s2, s17  }
0x8e: {  	[smem:$0x3FC3] =	sst s2  }
0x8f: {  	_ = 	snop  }
0x90: {  	s2 =	sld [smem:$0x3FD0];
	(tm) =	ssettm $0x1  }
0x91: {  	s18 =	sld [smem:$0x3FFB];
	_ =	sdelay $0x3  }
0x92: {  	_ =	strace s18  }
0x93: {  	s3 =	sld [smem:$0x3FFC];
	_ =	sdelay $0x3  }
0x94: {  	_ =	strace s3  }
0x95: {  	s3 =	sld [smem:$0x3FFD];
	_ =	sdelay $0x3  }
0x96: {  	_ =	strace s3  }
0x97: {  	_ =	strace $0x8FFFFFFF  }
0x98: {  	s19 =	sld [smem:$0x3FDB];
	_ =	sdelay $0x1  }
0x99: {  	s4 =	simm.s32 $_scs_section_size  }
0x9a: {  	s5 =	simm.s32 $_size__tile_overlayer_lowered;
	s6 =	simm.s32 $_tile_overlayer_lowered  }
0x9b: {  	s22 =	simm.s32 $0x1BFF;
	s21 =	sshll.u32 s6, $0x1;
	s3 =	sadd.s32 s4, s19  }
0x9c: {  	s7 =	simm.s32 $0x0;
	s20 =	sshll.u32 s5, $0x1;
	s5 =	sadd.s32 s21, s3  }
0x9d: {  	[timem:s7], [sflag:s22] =	dma.local [hbm:s5], s20  }
0x9e: {  	_ =	swait.ge [sflag:s22], s20  }
0x9f: {  	s4 =	ssub.s32 $0x0, s20;
	[sflag:s22] =	ssyncset.done $0x0  }
0xa0: {  	[sflag:s22] =	ssyncadd.s32 s4;
	_ =	sdelay $0x1  }
0xa1: {  	s23 =	simm.s32 $0x1B8B  }
0xa2: {  	_ =	swait.ge [sflag:s23], $0x1  }
0xa3: {  	[sflag:s23] =	ssyncset.done $0x0  }
0xa4: {  	s25 =	simm.s32 $0x1B8E;
	s24 =	sld [smem:$0x3FFE];
	[sflag:s23] =	ssyncadd.s32 $0xFFFFFFFF  }
0xa5: {  	s26 =	simm.s32 $execute0_lowered;
	[smem:$0x3FD2] =	sst s25  }
0xa6: {  	s5 =	sshll.u32 s26, $0x1;
	_ =	strace $0x80000046;
	[dreg:$0x1] =	wrdreg $0xFFFFFFFF  }
0xa7: {  	s28 =	simm.s32 $_size_execute0_lowered;
	s3 =	sadd.s32 s3, s5;
	[dreg:$0x0] =	wrdreg $0x0  }
0xa8: {  	s5 =	sshll.u32 s28, $0x1;
	[dreg:$0x2] =	wrdreg s3  }
0xa9: {  	[dreg:$0x3] =	wrdreg s5  }
0xaa: {  	[dreg:$0x4] =	wrdreg $0xC0  }
0xab: {  	_ =	task [dreg:s7], $0x5FFFF  }
0xac: {  	[dreg:$0x1] =	wrdreg $0xFFFFFFFF  }
0xad: {  	[dreg:$0x0] =	wrdreg $0x60  }
0xae: {  	[dreg:$0x2] =	wrdreg s2  }
0xaf: {  	[dreg:$0x3] =	wrdreg s24  }
0xb0: {  	[dreg:$0x4] =	wrdreg $0x0  }
0xb1: {  	[dreg:$0x5] =	wrdreg $0x9  }
0xb2: {  	_ =	task.clear_ibuf [dreg:s7], $0x6FFFF;
	_ =	strace $0x90000046  }
0xb3: {  	s29 =	simm.s32 $0x9;
	_ =	strace $0x80000048  }
0xb4: {  	_ =	swait.ge [sflag:s29], $0x1  }
0xb5: {  	[sflag:s29] =	ssyncadd.s32 $0xFFFFFFFF  }
0xb6: {  	_ =	strace $0x90000048  }
0xb7: {  	_ =	sfence  }
0xb8: {  	s30 =	sld [smem:$0x0];
	_ =	sdelay $0x2  }
0xb9: {  	s31 =	sshll.u32 s1, $0xD;
	s1 =	sshrl.u32 s1, $0x2  }
0xba: {  	s3 =	sand.u32 $0x4000, s31;
	s1 =	sadd.s32 s1, s30  }
0xbb: {  	s0 =	sor.u32 s3, s0;
	s1 =	sshll.u32 s1, $0x11  }
0xbc: {  	s0 =	sor.u32 s1, s0  }
0xbd: {  	s0 =	sadd.s32 $0x8F2B, s0  }
0xbe: {  	[sflag:s0] =	ssyncadd.remote.s32 $0x1  }
0xbf: {  	_ =	sfence.sel $0xFFFF  }
0xc0: {  	[dreg:$0x0] =	wrdreg $0xFFFFFFFF;
	(pc) =	sbr.abs _section_cstart, $3  }
0xc1: {  	[dreg:$0x1] =	wrdreg $0xFFFFFFFF  }
0xc2: {  	_ =	task.clear_ibuf [dreg:s7], $0x2FFFF;
	_ =	strace $0x9FFFFFFF  }
0xc3: {  	(tm) =	ssettm $0x7FFFFFFF  }
tec
execute0_lowered:
.L_overlay_start_1:
0x0: {  	(tag) =	ssettag $0x1  }
0x1: {  	s18 =	rddreg [dreg:$0x0]  }
0x2: {  	s0 =	rddreg [dreg:$0x1]  }
0x3: {  	s2 =	rddreg [dreg:$0x2];
	s3 =	simm.s32 $0x0  }
0x4: {  	[smem:$0x7FF] =	sst s3  }
0x5: {  	s19 =	sadd.s32 $0x29800, s0;
	s8 =	sadd.s32 $0x33800, s0;
	s7 =	sadd.s32 $0x2600, s0  }
0x6: {  	s24 =	sadd.s32 $0x3D800, s0;
	s4 =	sadd.s32 $0x47800, s0;
	s6 =	sadd.s32 $0x51800, s0  }
0x7: {  	s0 =	sadd.s32 $0x79800, s0;
	_ =	strace $0x80000047;
	[dreg:$0xe] =	wrdreg s6  }
0x8: {  	s5 =	srdreg.scid;
	[dreg:$0xf] =	wrdreg s0  }
0x9: {  	s1 =	stileid.u32;
	s28 =	simm.s32 $0x1C200;
	[dreg:$0x9] =	wrdreg s4  }
0xa: {  	s29 =	simm.s32 $0x1C080;
	s10 =	smul.u32 $0x280, s1;
	[dreg:$0x8] =	wrdreg s19  }
0xb: {  	s5 =	sand.u32 $0x1, s5;
	s12 =	smul.u32 $0x50000, s1;
	[dreg:$0xc] =	wrdreg s8  }
0xc: {  	s15 =	smul.u32 $0xA00, s1;
	s11 =	ssub.s32 $0x2, s5;
	[dreg:$0xd] =	wrdreg s24  }
0xd: {  	s16 =	sshrl.u32 s11, $0x1;
	s13 =	sadd.s32 $0x80, s10;
	s17 =	sshrl.u32 s12, $0x2  }
0xe: {  	s14 =	sadd.s32 $0x180, s10;
	s0 =	ssub.s32 s11, s16;
	s16 =	sadd.s32 s15, s8  }
0xf: {  	s20 =	sshll.u32 s13, $0x7;
	s9 =	sadd.s32 s17, s2;
	[dreg:$0x4] =	wrdreg s16  }
0x10: {  	s25 =	sshll.u32 s14, $0x7;
	s21 =	sadd.s32 s20, s2;
	[dreg:$0x10] =	wrdreg s9  }
0x11: {  	s11 =	sadd.s32 $0x100, s10;
	s26 =	sadd.s32 s25, s2;
	[dreg:$0x11] =	wrdreg s21  }
0x12: {  	s10 =	sadd.s32 $0x200, s10;
	s20 =	sadd.s32 s15, s19;
	[dreg:$0x13] =	wrdreg s26  }
0x13: {  	s22 =	sshll.u32 s11, $0x7;
	s0 =	smax.u32 s0, $0x1;
	[dreg:$0x5] =	wrdreg s20  }
0x14: {  	s6 =	sshll.u32 s10, $0x7;
	s23 =	sadd.s32 s22, s2;
	[smem:$0x7FC] =	sst s0  }
0x15: {  	s30 =	simm.s32 $0x1C280;
	s21 =	sadd.s32 s6, s2;
	[dreg:$0x12] =	wrdreg s23  }
0x16: {  	s17 =	smul.u32 $0x5000, s1;
	s22 =	sadd.s32 s15, s4;
	[dreg:$0x14] =	wrdreg s21  }
0x17: {  	s31 =	simm.s32 $0x80;
	s15 =	sadd.s32 s15, s24;
	[dreg:$0x6] =	wrdreg s22  }
0x18: {  	p0 =	seq.s32 s5, $0x1;
	s26 =	sor.u32 $0x200, s17;
	[dreg:$0x7] =	wrdreg s15  }
0x19: {  	s5 =	simm.s32 $0x1C100;
	s6 =	sshll.u32 s11, $0x4;
	[dreg:$0xa] =	wrdreg s26  }
0x1a: {  	s12 =	simm.s32 $0x2;
	s11 =	sshll.u32 s14, $0x4;
	[dreg:$0x17] =	wrdreg s6  }
0x1b: {  	s26 =	sshll.u32 s13, $0x4;
	[dreg:$0x18] =	wrdreg s11;
	s13 =	sshll.u32 s10, $0x4  }
0x1c: {  	s0 =	simm.s32 $0x3;
	s23 =	sshrl.u32 s17, $0x3;
	[dreg:$0x19] =	wrdreg s13  }
0x1d: {  	s11 =	simm.s32 $0x14000;
	s25 =	sadd.s32 s19, s23;
	[dreg:$0x16] =	wrdreg s26  }
0x1e: {  	s10 =	simm.s32 $0x7;
	s14 =	sadd.s32 s8, s23;
	[dreg:$0x15] =	wrdreg s25  }
0x1f: {  	s15 =	sor.u32 $0x10, s23;
	s16 =	sadd.s32 s24, s23;
	[dreg:$0x1a] =	wrdreg s14  }
0x20: {  	s25 =	sor.u32 $0x280, s17;
	[dreg:$0x1b] =	wrdreg s16;
	s17 =	sadd.s32 s4, s23  }
0x21: {  	s6 =	simm.s32 $0x0;
	s20 =	sadd.s32 s19, s15;
	[dreg:$0x1c] =	wrdreg s17  }
0x22: {  	s13 =	simm.s32 $0x4;
	s21 =	sadd.s32 s8, s15;
	[dreg:$0x1d] =	wrdreg s20  }
.Ltmp0:
0x23: {  	s22 =	sadd.s32 s24, s15;
	[dreg:$0x1e] =	wrdreg s21;
	(pc) =	sbr.rel .LBB2_1-.Ltmp0, $4  }
0x24: {  	s4 =	sadd.s32 s4, s15;
	s23 =	smul.u32 $0x2800, s1;
	[dreg:$0x1f] =	wrdreg s22  }
0x25: {  	s14 =	simm.s32 $0x8;
	[smem:$0x7FB] =	sst s4;
	s17 =	simm.s32 $0x5  }
0x26: {  	s4 =	simm.s32 $0x1C000;
	s21 =	simm.s32 $0x6;
	[dreg:$0xb] =	wrdreg s25  }
0x27: {  	v0 =	vimm.f32 $0.0e+00;
	s22 =	simm.s32 $0x18000;
	[smem:$0x7FD] =	sst s23;
	s23 =	simm.s32 $0x1  }
.LBB2_6:
0x28: {  	[sflag:s23] =	ssyncset.done $0x0  }
0x29: {  	s1 =	simm.s32 @!p2 $0x3;
	s20 =	simm.s32 $0x1C300;
	[sflag:s23] =	ssyncadd.s32 $0xFFFFC000  }
0x2a: {  	[spmem:s2] =	stream.indirect.scatter.add.f32 [tilespmem:s11], [sflag:$0x3], $0x80, s20, s31, $0xb8;
	[tilespmem:$0x1C400] =	vst v63  }
0x2b: {  	_ =	swait.ge @!p2 [sflag:s1], $0x4000  }
0x2c: {  	s4 =	rddreg [dreg:$0x5]  }
0x2d: {  	s6 =	rddreg [dreg:$0x4];
	[sflag:s1] =	ssyncset.done @!p2 $0x0;
	s4 =	sadd.s32 s15, s4  }
0x2e: {  	[sflag:s1] =	ssyncadd.s32 @!p2 $0xFFFFC000;
	s6 =	sadd.s32 s15, s6;
	s8 =	sadd.s32 $0x20, s4  }
0x2f: {  	[tilespmem:s26], [sflag:$0x7] =	stream.linear.gather [hbm4b:s8+s3], $0x80, $0x38;
	[tilespmem:$0x1C400] =	vst v63  }
0x30: {  	s9 =	sadd.s32 $0x20, s6  }
0x31: {  	[tilespmem:s20], [sflag:$0x7] =	stream.linear.gather [hbm4b:s9+s3], $0x80, $0x38;
	[tilespmem:$0x1C400] =	vst v63  }
0x32: {  	_ =	swait.ge [sflag:s17], $0x80  }
0x33: {  	[sflag:s17] =	ssyncset.done $0x0  }
0x34: {  	[sflag:s17] =	ssyncadd.s32 $0xFFFFFF80  }
0x35: {  	_ =	swait.ge [sflag:s17], $0x80  }
0x36: {  	[sflag:s17] =	ssyncset.done $0x0  }
0x37: {  	s1 =	simm.s32 @!p2 $0x2;
	[sflag:s17] =	ssyncadd.s32 $0xFFFFFF80  }
0x38: {  	[tilespmem:s11], [sflag:$0x1] =	stream.indirect.gather [hbm4b:s18+s31], $0x80, s28, s31, $0xb8;
	[tilespmem:$0x1C400] =	vst v63  }
0x39: {  	_ =	swait.ge @!p2 [sflag:s1], $0x4000  }
0x3a: {  	s8 =	simm.s32 @!p2 $0x18000;
	[sflag:s1] =	ssyncset.done @!p2 $0x0  }
0x3b: {  	s9 =	simm.s32 @!p2 $0x80;
	[sflag:s1] =	ssyncadd.s32 @!p2 $0xFFFFC000;
	s1 =	simm.s32 @!p2 $0x1C380  }
0x3c: {  	[spmem:s2] =	stream.indirect.scatter.add.f32 @!p2 [tilespmem:s8], [sflag:$0x4], $0x80, s1, s9, $0xb8;
	[tilespmem:$0x1C400] =	vst v63  }
0x3d: {  	s1 =	simm.s32 @!p2 $0x4  }
0x3e: {  	_ =	swait.ge @!p2 [sflag:s1], $0x4000  }
0x3f: {  	[sflag:s1] =	ssyncset.done @!p2 $0x0  }
0x40: {  	s15 =	sadd.s32 $0x30, s4;
	s8 =	simm.s32 $0x1C180;
	[sflag:s1] =	ssyncadd.s32 @!p2 $0xFFFFC000  }
0x41: {  	[tilespmem:s8], [sflag:$0x8] =	stream.linear.gather [hbm4b:s15+s3], $0x80, $0x38;
	[tilespmem:$0x1C400] =	vst v63  }
0x42: {  	s4 =	sadd.s32 $0x30, s6;
	s6 =	simm.s32 $0x1C380  }
0x43: {  	[tilespmem:s6], [sflag:$0x8] =	stream.linear.gather [hbm4b:s4+s3], $0x80, $0x38;
	[tilespmem:$0x1C400] =	vst v63  }
0x44: {  	_ =	swait.ge [sflag:s21], $0x80  }
0x45: {  	[sflag:s21] =	ssyncset.done $0x0  }
0x46: {  	[sflag:s21] =	ssyncadd.s32 $0xFFFFFF80  }
0x47: {  	_ =	swait.ge [sflag:s21], $0x80  }
0x48: {  	[sflag:s21] =	ssyncset.done $0x0  }
0x49: {  	[sflag:s21] =	ssyncadd.s32 $0xFFFFFF80  }
0x4a: {  	[tilespmem:s0], [sflag:$0x2] =	stream.indirect.gather [hbm4b:s18+s31], $0x80, s30, s31, $0xb8;
	[tilespmem:$0x1C400] =	vst v63  }
0x4b: {  	_ =	swait.ge [sflag:s23], $0x4000  }
0x4c: {  	s9 =	smin.u32 s16, $0x9B;
	[sflag:s23] =	ssyncset.done $0x0  }
0x4d: {  	s1 =	sshll.u32 s9, $0x7;
	[sflag:s23] =	ssyncadd.s32 $0xFFFFC000  }
0x4e: {  	[spmem:s2] =	stream.indirect.scatter.add.f32 [tilespmem:s11], [sflag:$0x3], $0x80, s29, s31, $0xb8;
	[tilespmem:$0x1C400] =	vst v63  }
0x4f: {  	s1 =	sadd.s32 s1, s25;
	_ =	swait.ge [sflag:s12], $0x4000  }
0x50: {  	s1 =	sshrl.u32 s1, $0x3;
	[sflag:s12] =	ssyncset.done $0x0  }
0x51: {  	s15 =	sadd.s32 s19, s1;
	[sflag:s12] =	ssyncadd.s32 $0xFFFFC000  }
0x52: {  	[tilespmem:s28], [sflag:$0x5] =	stream.linear.gather [hbm4b:s15+s3], $0x80, $0x38;
	[tilespmem:$0x1C400] =	vst v63  }
0x53: {  	s1 =	sadd.s32 s24, s1  }
0x54: {  	[tilespmem:s29], [sflag:$0x5] =	stream.linear.gather [hbm4b:s1+s3], $0x80, $0x38;
	[tilespmem:$0x1C400] =	vst v63  }
0x55: {  	_ =	swait.ge [sflag:s10], $0x80  }
0x56: {  	[sflag:s10] =	ssyncset.done $0x0  }
0x57: {  	[sflag:s10] =	ssyncadd.s32 $0xFFFFFF80  }
0x58: {  	_ =	swait.ge [sflag:s10], $0x80  }
0x59: {  	[sflag:s10] =	ssyncset.done $0x0  }
0x5a: {  	[sflag:s10] =	ssyncadd.s32 $0xFFFFFF80  }
0x5b: {  	[tilespmem:s11], [sflag:$0x1] =	stream.indirect.gather [hbm4b:s18+s31], $0x80, s26, s31, $0xb8;
	[tilespmem:$0x1C400] =	vst v63  }
0x5c: {  	_ =	swait.ge [sflag:s13], $0x4000  }
0x5d: {  	[sflag:s13] =	ssyncset.done $0x0  }
0x5e: {  	[sflag:s13] =	ssyncadd.s32 $0xFFFFC000  }
0x5f: {  	[spmem:s2] =	stream.indirect.scatter.add.f32 [tilespmem:s0], [sflag:$0x4], $0x80, s5, s31, $0xb8;
	[tilespmem:$0x1C400] =	vst v63  }
0x60: {  	s25 =	smin.u32 s16, $0x9A;
	_ =	swait.ge [sflag:s22], $0x4000  }
0x61: {  	s1 =	sshll.u32 s25, $0x7;
	s25 =	rddreg [dreg:$0xb]  }
0x62: {  	s1 =	sadd.s32 s1, s25  }
0x63: {  	[sflag:s22] =	ssyncset.done $0x0;
	s1 =	sshrl.u32 s1, $0x3  }
0x64: {  	[sflag:s22] =	ssyncadd.s32 $0xFFFFC000;
	s26 =	sadd.s32 s19, s1  }
0x65: {  	[tilespmem:s30], [sflag:$0x6] =	stream.linear.gather [hbm4b:s26+s3], $0x80, $0x38;
	[tilespmem:$0x1C400] =	vst v63  }
0x66: {  	s1 =	sadd.s32 s24, s1  }
0x67: {  	[tilespmem:s5], [sflag:$0x6] =	stream.linear.gather [hbm4b:s1+s3], $0x80, $0x38;
	[tilespmem:$0x1C400] =	vst v63  }
0x68: {  	_ =	swait.ge [sflag:s14], $0x80  }
0x69: {  	[sflag:s14] =	ssyncset.done $0x0  }
0x6a: {  	[sflag:s14] =	ssyncadd.s32 $0xFFFFFF80  }
0x6b: {  	_ =	swait.ge [sflag:s14], $0x80  }
0x6c: {  	[sflag:s14] =	ssyncset.done $0x0  }
0x6d: {  	s12 =	simm.s32 $0x2;
	s28 =	simm.s32 $0x1C200;
	[sflag:s14] =	ssyncadd.s32 $0xFFFFFF80  }
0x6e: {  	[tilespmem:s0], [sflag:$0x2] =	stream.indirect.gather [hbm4b:s18+s31], $0x80, s8, s31, $0xb8;
	[tilespmem:$0x1C400] =	vst v63  }
0x6f: {  	s29 =	simm.s32 $0x1C080;
	s13 =	simm.s32 $0x4;
	_ =	swait.ge [sflag:s23], $0x4000  }
0x70: {  	s22 =	simm.s32 $0x18000;
	s30 =	simm.s32 $0x1C280;
	s15 =	rddreg [dreg:$0xe]  }
0x71: {  	s5 =	simm.s32 $0x1C100;
	s8 =	smov.u32 s24;
	s24 =	rddreg [dreg:$0xd]  }
0x72: {  	s1 =	simm.s32 $0x1C380;
	[sflag:s23] =	ssyncset.done $0x0;
	s26 =	rddreg [dreg:$0x16]  }
0x73: {  	s0 =	simm.s32 $0x3;
	s16 =	sld [smem:$0x7FA];
	[sflag:s23] =	ssyncadd.s32 $0xFFFFC000  }
0x74: {  	[spmem:s2] =	stream.indirect.scatter.add.f32 [tilespmem:s11], [sflag:$0x3], $0x80, s20, s31, $0xb8;
	[tilespmem:$0x1C400] =	vst v63  }
.LBB2_10:
0x75: {  	_ =	swait.ge [sflag:s12], $0x4000  }
0x76: {  	[sflag:s12] =	ssyncset.done $0x0  }
0x77: {  	[sflag:s12] =	ssyncadd.s32 $0xFFFFC000  }
0x78: {  	[spmem:s2] =	stream.indirect.scatter.add.f32 [tilespmem:s22], [sflag:$0x4], $0x80, s1, s31, $0xb8;
	[tilespmem:$0x1C400] =	vst v63  }
0x79: {  	_ =	swait.ge [sflag:s0], $0x4000  }
0x7a: {  	[sflag:s0] =	ssyncset.done $0x0  }
0x7b: {  	[sflag:s0] =	ssyncadd.s32 $0xFFFFC000  }
0x7c: {  	_ =	swait.ge [sflag:s13], $0x4000  }
0x7d: {  	[sflag:s13] =	ssyncset.done $0x0  }
0x7e: {  	[sflag:s13] =	ssyncadd.s32 $0xFFFFC000  }
0x7f: {  	_ =	swait.ge [sflag:s17], $0x80  }
0x80: {  	[sflag:s17] =	ssyncset.done $0x0  }
0x81: {  	[sflag:s17] =	ssyncadd.s32 $0xFFFFFF80  }
0x82: {  	_ =	swait.ge [sflag:s17], $0x80  }
0x83: {  	[sflag:s17] =	ssyncset.done $0x0  }
0x84: {  	[sflag:s17] =	ssyncadd.s32 $0xFFFFFF80  }
0x85: {  	_ =	swait.ge [sflag:s21], $0x80  }
0x86: {  	[sflag:s21] =	ssyncset.done $0x0  }
0x87: {  	[sflag:s21] =	ssyncadd.s32 $0xFFFFFF80  }
0x88: {  	_ =	swait.ge [sflag:s21], $0x80  }
0x89: {  	[sflag:s21] =	ssyncset.done $0x0;
	s9 =	sld [smem:$0x7FD]  }
0x8a: {  	[sflag:s21] =	ssyncadd.s32 $0xFFFFFF80  }
0x8b: {  	s4 =	stileid.u32;
	[bflag:$0x0] =	sbarrier.arrive $0xFFFF  }
0x8c: {  	s4 =	sshll.u32 s4, $0x6;
	s1 =	sadd.s32 s15, s9;
	s9 =	rddreg [dreg:$0x10]  }
0x8d: {  	s4 =	sor.u32 $0x1C06, s4;
	s6 =	sshrl.u32 s9, $0x3  }
0x8e: {  	[hbm:s1], [sflag:s4] =	dma.local [spmem:s6], $0x800  }
0x8f: {  	s6 =	rddreg [dreg:$0x11]  }
0x90: {  	s20 =	sadd.s32 s15, s26;
	s6 =	sshrl.u32 s6, $0x3  }
0x91: {  	[hbm:s20], [sflag:s4] =	dma.local [spmem:s6], $0x800  }
0x92: {  	s1 =	rddreg [dreg:$0x17]  }
0x93: {  	s6 =	rddreg [dreg:$0x12]  }
0x94: {  	s1 =	sadd.s32 s15, s1;
	s6 =	sshrl.u32 s6, $0x3  }
0x95: {  	[hbm:s1], [sflag:s4] =	dma.local [spmem:s6], $0x800  }
0x96: {  	s1 =	rddreg [dreg:$0x18]  }
0x97: {  	s6 =	rddreg [dreg:$0x13]  }
0x98: {  	s1 =	sadd.s32 s15, s1;
	s6 =	sshrl.u32 s6, $0x3  }
0x99: {  	[hbm:s1], [sflag:s4] =	dma.local [spmem:s6], $0x800  }
0x9a: {  	s1 =	rddreg [dreg:$0x19]  }
0x9b: {  	s6 =	rddreg [dreg:$0x14]  }
0x9c: {  	s1 =	sadd.s32 s15, s1;
	s6 =	sshrl.u32 s6, $0x3  }
0x9d: {  	[hbm:s1], [sflag:s4] =	dma.local [spmem:s6], $0x800  }
0x9e: {  	_ =	swait.ge [sflag:s21], $0x800  }
0x9f: {  	[sflag:s21] =	ssyncset.done $0x0  }
0xa0: {  	[sflag:s21] =	ssyncadd.s32 $0xFFFFF800  }
0xa1: {  	_ =	swait.ge [sflag:s21], $0x800  }
0xa2: {  	[sflag:s21] =	ssyncset.done $0x0  }
0xa3: {  	[sflag:s21] =	ssyncadd.s32 $0xFFFFF800  }
0xa4: {  	_ =	swait.ge [sflag:s21], $0x800  }
0xa5: {  	[sflag:s21] =	ssyncset.done $0x0  }
0xa6: {  	[sflag:s21] =	ssyncadd.s32 $0xFFFFF800  }
0xa7: {  	_ =	swait.ge [sflag:s21], $0x800  }
0xa8: {  	[sflag:s21] =	ssyncset.done $0x0  }
0xa9: {  	[sflag:s21] =	ssyncadd.s32 $0xFFFFF800  }
0xaa: {  	_ =	swait.ge [sflag:s21], $0x800  }
0xab: {  	s26 =	sld [smem:$0x7FC];
	_ =	sdelay $0x1  }
0xac: {  	s6 =	sadd.s32 $0x1, s16  }
0xad: {  	p1 =	sne.s32 s6, s26  }
.Ltmp1:
0xae: {  	_ = 	snop;
	(pc) =	sbr.rel @!p1 .LBB2_11-.Ltmp1, $3  }
0xaf: {  	_ =	sdelay $0x1  }
0xb0: {  	[sflag:s21] =	ssyncset.done $0x0  }
0xb1: {  	s4 =	simm.s32 $0x1C000;
	[sflag:s21] =	ssyncadd.s32 $0xFFFFF800  }
.LBB2_1:
0xb2: {  	s15 =	sand.u32 $0xFE00, s3  }
0xb3: {  	s16 =	sand.u32 $0x70, s3;
	s20 =	sshrl.u32 s15, $0x2  }
0xb4: {  	s15 =	simm.s32 $0x40;
	s20 =	sor.u32 s16, s20;
	s16 =	simm.s32 $0x0  }
.LBB2_2:
0xb5: {  	p1 =	sne.s32 s15, $0xFFC0  }
0xb6: {  	[tilespmem:s20+$0x14000] =	vst v0;
	s16 =	sadd.s32 $0x10, s16;
	s20 =	smov.u32 s15;
	s15 =	sadd.s32 $0x40, s15  }
.Ltmp2:
0xb7: {  	(pc) =	sbr.rel @p1 .LBB2_2-.Ltmp2, $4  }
0xb8: {  	_ = 	snop  }
0xb9: {  	s20 =	sand.u32 $0xFE00, s20  }
0xba: {  	s1 =	sand.u32 $0x70, s16;
	s20 =	sshrl.u32 s20, $0x2  }
0xbb: {  	s20 =	sor.u32 s1, s20  }
0xbc: {  	[smem:$0x7FA] =	sst s6;
	[tilespmem:s20+$0x14000] =	vst v0  }
0xbd: {  	[spmem:s9] =	stream.linear.scatter [tilespmem:s11], [sflag:$0x5], $0x4000, $0x38;
	[tilespmem:$0x1C400] =	vst v63  }
0xbe: {  	s1 =	rddreg [dreg:$0x11]  }
0xbf: {  	[spmem:s1] =	stream.linear.scatter [tilespmem:s11], [sflag:$0x5], $0x4000, $0x38;
	[tilespmem:$0x1C400] =	vst v63  }
0xc0: {  	s16 =	rddreg [dreg:$0x12]  }
0xc1: {  	[spmem:s16] =	stream.linear.scatter [tilespmem:s11], [sflag:$0x5], $0x4000, $0x38;
	[tilespmem:$0x1C400] =	vst v63  }
0xc2: {  	s20 =	rddreg [dreg:$0x13]  }
0xc3: {  	[spmem:s20] =	stream.linear.scatter [tilespmem:s11], [sflag:$0x5], $0x4000, $0x38;
	[tilespmem:$0x1C400] =	vst v63  }
0xc4: {  	s26 =	rddreg [dreg:$0x14]  }
0xc5: {  	[spmem:s26] =	stream.linear.scatter [tilespmem:s11], [sflag:$0x5], $0x4000, $0x38;
	[tilespmem:$0x1C400] =	vst v63  }
0xc6: {  	_ =	swait.ge [sflag:s17], $0x4000  }
0xc7: {  	[sflag:s17] =	ssyncset.done $0x0  }
0xc8: {  	[sflag:s17] =	ssyncadd.s32 $0xFFFFC000  }
0xc9: {  	_ =	swait.ge [sflag:s17], $0x4000  }
0xca: {  	[sflag:s17] =	ssyncset.done $0x0  }
0xcb: {  	[sflag:s17] =	ssyncadd.s32 $0xFFFFC000  }
0xcc: {  	_ =	swait.ge [sflag:s17], $0x4000  }
0xcd: {  	[sflag:s17] =	ssyncset.done $0x0  }
0xce: {  	[sflag:s17] =	ssyncadd.s32 $0xFFFFC000  }
0xcf: {  	_ =	swait.ge [sflag:s17], $0x4000  }
0xd0: {  	[sflag:s17] =	ssyncset.done $0x0  }
0xd1: {  	[sflag:s17] =	ssyncadd.s32 $0xFFFFC000  }
.Ltmp3:
0xd2: {  	_ =	swait.ge [sflag:s17], $0x4000;
	(pc) =	sbr.rel @!p0 .LBB2_4-.Ltmp3, $4  }
0xd3: {  	[sflag:s17] =	ssyncset.done $0x0  }
0xd4: {  	[sflag:s17] =	ssyncadd.s32 $0xFFFFC000  }
0xd5: {  	[bflag:$0x0] =	sbarrier.arrive $0xFFFF  }
0xd6: {  	s15 =	simm.s32 $0x0  }
0xd7: {  	s1 =	rddreg [dreg:$0x1b]  }
0xd8: {  	s26 =	rddreg [dreg:$0x1c]  }
0xd9: {  	[tilespmem:s4], [sflag:$0x5] =	stream.linear.gather [hbm4b:s1+s15], $0x80, $0x38;
	[tilespmem:$0x1C400] =	vst v63  }
0xda: {  	s6 =	sld [smem:$0x7FB]  }
0xdb: {  	[tilespmem:s28], [sflag:$0x5] =	stream.linear.gather [hbm4b:s26+s15], $0x80, $0x38;
	[tilespmem:$0x1C400] =	vst v63  }
0xdc: {  	p1 =	por $0x1, $0x1;
	s4 =	rddreg [dreg:$0x1f]  }
0xdd: {  	[tilespmem:s29], [sflag:$0x6] =	stream.linear.gather [hbm4b:s4+s15], $0x80, $0x38;
	[tilespmem:$0x1C400] =	vst v63  }
0xde: {  	s1 =	simm.s32 @!p1 $0x3  }
0xdf: {  	[tilespmem:s30], [sflag:$0x6] =	stream.linear.gather [hbm4b:s6+s15], $0x80, $0x38;
	[tilespmem:$0x1C400] =	vst v63  }
0xe0: {  	_ =	swait.ge @!p1 [sflag:s1], $0x4000  }
0xe1: {  	s8 =	rddreg [dreg:$0x7]  }
0xe2: {  	s6 =	rddreg [dreg:$0x6];
	[sflag:s1] =	ssyncset.done @!p1 $0x0;
	s4 =	sadd.s32 $0x0, s8  }
0xe3: {  	[sflag:s1] =	ssyncadd.s32 @!p1 $0xFFFFC000;
	s6 =	sadd.s32 $0x0, s6;
	s9 =	sadd.s32 $0x20, s4  }
0xe4: {  	[tilespmem:s5], [sflag:$0x7] =	stream.linear.gather [hbm4b:s9+s3], $0x80, $0x38;
	[tilespmem:$0x1C400] =	vst v63  }
0xe5: {  	s8 =	simm.s32 $0x1C300;
	s16 =	sadd.s32 $0x20, s6  }
0xe6: {  	[tilespmem:s8], [sflag:$0x7] =	stream.linear.gather [hbm4b:s16+s3], $0x80, $0x38;
	[tilespmem:$0x1C400] =	vst v63  }
0xe7: {  	_ =	swait.ge [sflag:s17], $0x80  }
0xe8: {  	[sflag:s17] =	ssyncset.done $0x0  }
0xe9: {  	[sflag:s17] =	ssyncadd.s32 $0xFFFFFF80  }
0xea: {  	_ =	swait.ge [sflag:s17], $0x80  }
0xeb: {  	[sflag:s17] =	ssyncset.done $0x0  }
0xec: {  	s26 =	simm.s32 $0x1C000;
	s1 =	simm.s32 @!p1 $0x2;
	[sflag:s17] =	ssyncadd.s32 $0xFFFFFF80  }
0xed: {  	[tilespmem:s11], [sflag:$0x1] =	stream.indirect.gather [hbm4b:s7+s31], $0x80, s26, s31, $0xb8;
	[tilespmem:$0x1C400] =	vst v63  }
0xee: {  	_ =	swait.ge @!p1 [sflag:s1], $0x4000  }
0xef: {  	s9 =	simm.s32 @!p1 $0x80;
	[sflag:s1] =	ssyncset.done @!p1 $0x0  }
0xf0: {  	s8 =	simm.s32 @!p1 $0x18000;
	[sflag:s1] =	ssyncadd.s32 @!p1 $0xFFFFC000;
	s1 =	simm.s32 @!p1 $0x1C380  }
0xf1: {  	[spmem:s2] =	stream.indirect.scatter.add.f32 @!p1 [tilespmem:s8], [sflag:$0x4], $0x80, s1, s9, $0xb8;
	[tilespmem:$0x1C400] =	vst v63  }
0xf2: {  	s1 =	simm.s32 @!p1 $0x4  }
0xf3: {  	_ =	swait.ge @!p1 [sflag:s1], $0x4000  }
0xf4: {  	[sflag:s1] =	ssyncset.done @!p1 $0x0  }
0xf5: {  	s18 =	sadd.s32 $0x30, s4;
	s8 =	simm.s32 $0x1C180;
	[sflag:s1] =	ssyncadd.s32 @!p1 $0xFFFFC000  }
0xf6: {  	[tilespmem:s8], [sflag:$0x8] =	stream.linear.gather [hbm4b:s18+s3], $0x80, $0x38;
	[tilespmem:$0x1C400] =	vst v63  }
0xf7: {  	s20 =	simm.s32 $0x1C380;
	s19 =	sadd.s32 $0x30, s6  }
0xf8: {  	[tilespmem:s20], [sflag:$0x8] =	stream.linear.gather [hbm4b:s19+s3], $0x80, $0x38;
	[tilespmem:$0x1C400] =	vst v63  }
0xf9: {  	_ =	swait.ge [sflag:s21], $0x80  }
0xfa: {  	[sflag:s21] =	ssyncset.done $0x0  }
0xfb: {  	[sflag:s21] =	ssyncadd.s32 $0xFFFFFF80  }
0xfc: {  	_ =	swait.ge [sflag:s21], $0x80  }
0xfd: {  	[sflag:s21] =	ssyncset.done $0x0  }
0xfe: {  	[sflag:s21] =	ssyncadd.s32 $0xFFFFFF80  }
0xff: {  	[tilespmem:s22], [sflag:$0x2] =	stream.indirect.gather [hbm4b:s7+s31], $0x80, s29, s31, $0xb8;
	[tilespmem:$0x1C400] =	vst v63  }
0x100: {  	_ =	swait.ge [sflag:s23], $0x4000  }
0x101: {  	[sflag:s23] =	ssyncset.done $0x0  }
0x102: {  	[sflag:s23] =	ssyncadd.s32 $0xFFFFC000  }
0x103: {  	[spmem:s2] =	stream.indirect.scatter.add.f32 [tilespmem:s11], [sflag:$0x3], $0x80, s28, s31, $0xb8;
	[tilespmem:$0x1C400] =	vst v63  }
0x104: {  	s6 =	smin.u32 s15, $0x9B;
	_ =	swait.ge [sflag:s0], $0x4000  }
0x105: {  	s1 =	sshll.u32 s6, $0x7;
	s9 =	rddreg [dreg:$0xa]  }
0x106: {  	s1 =	sadd.s32 s1, s9  }
0x107: {  	[sflag:s0] =	ssyncset.done $0x0;
	s1 =	sshrl.u32 s1, $0x3  }
0x108: {  	s18 =	rddreg [dreg:$0x9];
	[sflag:s0] =	ssyncadd.s32 $0xFFFFC000;
	s16 =	sadd.s32 s24, s1  }
0x109: {  	[tilespmem:s26], [sflag:$0x5] =	stream.linear.gather [hbm4b:s16+s3], $0x80, $0x38;
	[tilespmem:$0x1C400] =	vst v63  }
0x10a: {  	s1 =	sadd.s32 s18, s1  }
0x10b: {  	[tilespmem:s28], [sflag:$0x5] =	stream.linear.gather [hbm4b:s1+s3], $0x80, $0x38;
	[tilespmem:$0x1C400] =	vst v63  }
0x10c: {  	_ =	swait.ge [sflag:s10], $0x80  }
0x10d: {  	[sflag:s10] =	ssyncset.done $0x0  }
0x10e: {  	[sflag:s10] =	ssyncadd.s32 $0xFFFFFF80  }
0x10f: {  	_ =	swait.ge [sflag:s10], $0x80  }
0x110: {  	[sflag:s10] =	ssyncset.done $0x0  }
0x111: {  	[sflag:s10] =	ssyncadd.s32 $0xFFFFFF80  }
0x112: {  	[tilespmem:s11], [sflag:$0x1] =	stream.indirect.gather [hbm4b:s7+s31], $0x80, s5, s31, $0xb8;
	[tilespmem:$0x1C400] =	vst v63  }
0x113: {  	_ =	swait.ge [sflag:s12], $0x4000  }
0x114: {  	s19 =	smin.u32 s15, $0x9A;
	[sflag:s12] =	ssyncset.done $0x0  }
0x115: {  	s1 =	sshll.u32 s19, $0x7;
	[sflag:s12] =	ssyncadd.s32 $0xFFFFC000  }
0x116: {  	[spmem:s2] =	stream.indirect.scatter.add.f32 [tilespmem:s22], [sflag:$0x4], $0x80, s30, s31, $0xb8;
	[tilespmem:$0x1C400] =	vst v63  }
0x117: {  	s1 =	sadd.s32 s1, s25;
	_ =	swait.ge [sflag:s13], $0x4000  }
0x118: {  	s1 =	sshrl.u32 s1, $0x3;
	[sflag:s13] =	ssyncset.done $0x0  }
0x119: {  	s20 =	sadd.s32 s24, s1;
	[sflag:s13] =	ssyncadd.s32 $0xFFFFC000  }
0x11a: {  	[tilespmem:s29], [sflag:$0x6] =	stream.linear.gather [hbm4b:s20+s3], $0x80, $0x38;
	[tilespmem:$0x1C400] =	vst v63  }
0x11b: {  	s1 =	sadd.s32 s18, s1  }
0x11c: {  	[tilespmem:s30], [sflag:$0x6] =	stream.linear.gather [hbm4b:s1+s3], $0x80, $0x38;
	[tilespmem:$0x1C400] =	vst v63  }
0x11d: {  	_ =	swait.ge [sflag:s14], $0x80  }
0x11e: {  	[sflag:s14] =	ssyncset.done $0x0  }
0x11f: {  	[sflag:s14] =	ssyncadd.s32 $0xFFFFFF80  }
0x120: {  	_ =	swait.ge [sflag:s14], $0x80  }
0x121: {  	[sflag:s14] =	ssyncset.done $0x0  }
0x122: {  	p2 =	por $0x0, $0x0;
	s15 =	simm.s32 $0x40;
	[sflag:s14] =	ssyncadd.s32 $0xFFFFFF80  }
0x123: {  	[tilespmem:s22], [sflag:$0x2] =	stream.indirect.gather [hbm4b:s7+s31], $0x80, s8, s31, $0xb8;
	[tilespmem:$0x1C400] =	vst v63  }
0x124: {  	s16 =	simm.s32 $0x4;
	s20 =	simm.s32 $0x80;
	_ =	swait.ge [sflag:s23], $0x4000  }
.LBB2_8:
0x125: {  	[sflag:s23] =	ssyncset.done $0x0  }
0x126: {  	s1 =	simm.s32 @!p2 $0x3;
	s9 =	simm.s32 $0x1C300;
	[sflag:s23] =	ssyncadd.s32 $0xFFFFC000  }
0x127: {  	[spmem:s2] =	stream.indirect.scatter.add.f32 [tilespmem:s11], [sflag:$0x3], $0x80, s9, s31, $0xb8;
	[tilespmem:$0x1C400] =	vst v63  }
0x128: {  	_ =	swait.ge @!p2 [sflag:s1], $0x4000  }
0x129: {  	s6 =	rddreg [dreg:$0x7]  }
0x12a: {  	[sflag:s1] =	ssyncset.done @!p2 $0x0;
	s18 =	rddreg [dreg:$0x6];
	s6 =	sadd.s32 s15, s6  }
0x12b: {  	[sflag:s1] =	ssyncadd.s32 @!p2 $0xFFFFC000;
	s1 =	sadd.s32 s15, s18;
	s8 =	sadd.s32 $0x20, s6  }
0x12c: {  	[tilespmem:s5], [sflag:$0x7] =	stream.linear.gather [hbm4b:s8+s3], $0x80, $0x38;
	[tilespmem:$0x1C400] =	vst v63  }
0x12d: {  	s19 =	sadd.s32 $0x20, s1  }
0x12e: {  	[tilespmem:s9], [sflag:$0x7] =	stream.linear.gather [hbm4b:s19+s3], $0x80, $0x38;
	[tilespmem:$0x1C400] =	vst v63  }
0x12f: {  	_ =	swait.ge [sflag:s17], $0x80  }
0x130: {  	[sflag:s17] =	ssyncset.done $0x0  }
0x131: {  	[sflag:s17] =	ssyncadd.s32 $0xFFFFFF80  }
0x132: {  	_ =	swait.ge [sflag:s17], $0x80  }
0x133: {  	s4 =	smov.u32 s20;
	[sflag:s17] =	ssyncset.done $0x0  }
0x134: {  	s15 =	smov.u32 s4;
	s4 =	simm.s32 @!p2 $0x2;
	[sflag:s17] =	ssyncadd.s32 $0xFFFFFF80  }
0x135: {  	[tilespmem:s11], [sflag:$0x1] =	stream.indirect.gather [hbm4b:s7+s31], $0x80, s26, s31, $0xb8;
	[tilespmem:$0x1C400] =	vst v63  }
0x136: {  	_ =	swait.ge @!p2 [sflag:s4], $0x4000  }
0x137: {  	s18 =	simm.s32 @!p2 $0x80;
	[sflag:s4] =	ssyncset.done @!p2 $0x0  }
0x138: {  	s8 =	simm.s32 @!p2 $0x18000;
	s19 =	simm.s32 @!p2 $0x1C380;
	[sflag:s4] =	ssyncadd.s32 @!p2 $0xFFFFC000  }
0x139: {  	[spmem:s2] =	stream.indirect.scatter.add.f32 @!p2 [tilespmem:s8], [sflag:$0x4], $0x80, s19, s18, $0xb8;
	[tilespmem:$0x1C400] =	vst v63  }
0x13a: {  	s9 =	simm.s32 @!p2 $0x4;
	s19 =	rddreg [dreg:$0xa]  }
0x13b: {  	s18 =	rddreg [dreg:$0x9];
	_ =	swait.ge @!p2 [sflag:s9], $0x4000  }
0x13c: {  	[sflag:s9] =	ssyncset.done @!p2 $0x0  }
0x13d: {  	s8 =	sadd.s32 $0x30, s6;
	s6 =	simm.s32 $0x1C180;
	[sflag:s9] =	ssyncadd.s32 @!p2 $0xFFFFC000  }
0x13e: {  	[tilespmem:s6], [sflag:$0x8] =	stream.linear.gather [hbm4b:s8+s3], $0x80, $0x38;
	[tilespmem:$0x1C400] =	vst v63  }
0x13f: {  	s1 =	sadd.s32 $0x30, s1;
	s9 =	simm.s32 $0x1C380  }
0x140: {  	[tilespmem:s9], [sflag:$0x8] =	stream.linear.gather [hbm4b:s1+s3], $0x80, $0x38;
	[tilespmem:$0x1C400] =	vst v63  }
0x141: {  	_ =	swait.ge [sflag:s21], $0x80  }
0x142: {  	[sflag:s21] =	ssyncset.done $0x0  }
0x143: {  	[sflag:s21] =	ssyncadd.s32 $0xFFFFFF80  }
0x144: {  	_ =	swait.ge [sflag:s21], $0x80  }
0x145: {  	[sflag:s21] =	ssyncset.done $0x0  }
0x146: {  	[sflag:s21] =	ssyncadd.s32 $0xFFFFFF80  }
0x147: {  	[tilespmem:s22], [sflag:$0x2] =	stream.indirect.gather [hbm4b:s7+s31], $0x80, s29, s31, $0xb8;
	[tilespmem:$0x1C400] =	vst v63  }
0x148: {  	_ =	swait.ge [sflag:s23], $0x4000  }
0x149: {  	s8 =	smin.u32 s16, $0x9B;
	[sflag:s23] =	ssyncset.done $0x0  }
0x14a: {  	s1 =	sshll.u32 s8, $0x7;
	[sflag:s23] =	ssyncadd.s32 $0xFFFFC000  }
0x14b: {  	[spmem:s2] =	stream.indirect.scatter.add.f32 [tilespmem:s11], [sflag:$0x3], $0x80, s28, s31, $0xb8;
	[tilespmem:$0x1C400] =	vst v63  }
0x14c: {  	s1 =	sadd.s32 s1, s19;
	_ =	swait.ge [sflag:s0], $0x4000  }
0x14d: {  	s1 =	sshrl.u32 s1, $0x3;
	[sflag:s0] =	ssyncset.done $0x0  }
0x14e: {  	s9 =	sadd.s32 s24, s1;
	[sflag:s0] =	ssyncadd.s32 $0xFFFFC000  }
0x14f: {  	[tilespmem:s26], [sflag:$0x5] =	stream.linear.gather [hbm4b:s9+s3], $0x80, $0x38;
	[tilespmem:$0x1C400] =	vst v63  }
0x150: {  	s1 =	sadd.s32 s18, s1  }
0x151: {  	[tilespmem:s28], [sflag:$0x5] =	stream.linear.gather [hbm4b:s1+s3], $0x80, $0x38;
	[tilespmem:$0x1C400] =	vst v63  }
0x152: {  	_ =	swait.ge [sflag:s10], $0x80  }
0x153: {  	[sflag:s10] =	ssyncset.done $0x0  }
0x154: {  	[sflag:s10] =	ssyncadd.s32 $0xFFFFFF80  }
0x155: {  	_ =	swait.ge [sflag:s10], $0x80  }
0x156: {  	[sflag:s10] =	ssyncset.done $0x0  }
0x157: {  	[sflag:s10] =	ssyncadd.s32 $0xFFFFFF80  }
0x158: {  	[tilespmem:s11], [sflag:$0x1] =	stream.indirect.gather [hbm4b:s7+s31], $0x80, s5, s31, $0xb8;
	[tilespmem:$0x1C400] =	vst v63  }
0x159: {  	_ =	swait.ge [sflag:s12], $0x4000  }
0x15a: {  	s8 =	smin.u32 s16, $0x9A;
	[sflag:s12] =	ssyncset.done $0x0  }
0x15b: {  	s1 =	sshll.u32 s8, $0x7;
	[sflag:s12] =	ssyncadd.s32 $0xFFFFC000  }
0x15c: {  	[spmem:s2] =	stream.indirect.scatter.add.f32 [tilespmem:s22], [sflag:$0x4], $0x80, s30, s31, $0xb8;
	[tilespmem:$0x1C400] =	vst v63  }
0x15d: {  	s1 =	sadd.s32 s1, s25;
	_ =	swait.ge [sflag:s13], $0x4000  }
0x15e: {  	s1 =	sshrl.u32 s1, $0x3;
	[sflag:s13] =	ssyncset.done $0x0  }
0x15f: {  	s9 =	sadd.s32 s24, s1;
	[sflag:s13] =	ssyncadd.s32 $0xFFFFC000  }
0x160: {  	[tilespmem:s29], [sflag:$0x6] =	stream.linear.gather [hbm4b:s9+s3], $0x80, $0x38;
	[tilespmem:$0x1C400] =	vst v63  }
0x161: {  	s1 =	sadd.s32 s18, s1  }
0x162: {  	[tilespmem:s30], [sflag:$0x6] =	stream.linear.gather [hbm4b:s1+s3], $0x80, $0x38;
	[tilespmem:$0x1C400] =	vst v63  }
0x163: {  	_ =	swait.ge [sflag:s14], $0x80  }
0x164: {  	s20 =	sadd.s32 $0x40, s20;
	[sflag:s14] =	ssyncset.done $0x0  }
0x165: {  	p1 =	sne.s32 s20, $0xA00;
	[sflag:s14] =	ssyncadd.s32 $0xFFFFFF80  }
.Ltmp4:
0x166: {  	_ =	swait.ge [sflag:s14], $0x80;
	(pc) =	sbr.rel @p1 .LBB2_8-.Ltmp4, $4  }
0x167: {  	[sflag:s14] =	ssyncset.done $0x0  }
0x168: {  	[sflag:s14] =	ssyncadd.s32 $0xFFFFFF80  }
0x169: {  	[tilespmem:s22], [sflag:$0x2] =	stream.indirect.gather [hbm4b:s7+s31], $0x80, s6, s31, $0xb8;
	[tilespmem:$0x1C400] =	vst v63  }
0x16a: {  	p2 =	seq.s32 s15, $0x0;
	s16 =	sadd.s32 $0x4, s16;
	_ =	swait.ge [sflag:s23], $0x4000  }
0x16b: {  	[sflag:s23] =	ssyncset.done $0x0  }
0x16c: {  	s1 =	simm.s32 @!p2 $0x3;
	s20 =	simm.s32 $0x1C300;
	[sflag:s23] =	ssyncadd.s32 $0xFFFFC000  }
0x16d: {  	[spmem:s2] =	stream.indirect.scatter.add.f32 [tilespmem:s11], [sflag:$0x3], $0x80, s20, s31, $0xb8;
	[tilespmem:$0x1C400] =	vst v63  }
0x16e: {  	_ =	swait.ge @!p2 [sflag:s1], $0x4000  }
0x16f: {  	s4 =	rddreg [dreg:$0x7]  }
0x170: {  	s6 =	rddreg [dreg:$0x6];
	[sflag:s1] =	ssyncset.done @!p2 $0x0;
	s4 =	sadd.s32 s15, s4  }
0x171: {  	[sflag:s1] =	ssyncadd.s32 @!p2 $0xFFFFC000;
	s6 =	sadd.s32 s15, s6;
	s8 =	sadd.s32 $0x20, s4  }
0x172: {  	[tilespmem:s5], [sflag:$0x7] =	stream.linear.gather [hbm4b:s8+s3], $0x80, $0x38;
	[tilespmem:$0x1C400] =	vst v63  }
0x173: {  	s9 =	sadd.s32 $0x20, s6  }
0x174: {  	[tilespmem:s20], [sflag:$0x7] =	stream.linear.gather [hbm4b:s9+s3], $0x80, $0x38;
	[tilespmem:$0x1C400] =	vst v63  }
0x175: {  	_ =	swait.ge [sflag:s17], $0x80  }
0x176: {  	[sflag:s17] =	ssyncset.done $0x0  }
0x177: {  	[sflag:s17] =	ssyncadd.s32 $0xFFFFFF80  }
0x178: {  	_ =	swait.ge [sflag:s17], $0x80  }
0x179: {  	[sflag:s17] =	ssyncset.done $0x0  }
0x17a: {  	s1 =	simm.s32 @!p2 $0x2;
	[sflag:s17] =	ssyncadd.s32 $0xFFFFFF80  }
0x17b: {  	[tilespmem:s11], [sflag:$0x1] =	stream.indirect.gather [hbm4b:s7+s31], $0x80, s26, s31, $0xb8;
	[tilespmem:$0x1C400] =	vst v63  }
0x17c: {  	_ =	swait.ge @!p2 [sflag:s1], $0x4000  }
0x17d: {  	s8 =	simm.s32 @!p2 $0x18000;
	[sflag:s1] =	ssyncset.done @!p2 $0x0  }
0x17e: {  	s9 =	simm.s32 @!p2 $0x80;
	[sflag:s1] =	ssyncadd.s32 @!p2 $0xFFFFC000;
	s1 =	simm.s32 @!p2 $0x1C380  }
0x17f: {  	[spmem:s2] =	stream.indirect.scatter.add.f32 @!p2 [tilespmem:s8], [sflag:$0x4], $0x80, s1, s9, $0xb8;
	[tilespmem:$0x1C400] =	vst v63  }
0x180: {  	s1 =	simm.s32 @!p2 $0x4  }
0x181: {  	_ =	swait.ge @!p2 [sflag:s1], $0x4000  }
0x182: {  	[sflag:s1] =	ssyncset.done @!p2 $0x0  }
0x183: {  	s15 =	sadd.s32 $0x30, s4;
	s8 =	simm.s32 $0x1C180;
	[sflag:s1] =	ssyncadd.s32 @!p2 $0xFFFFC000  }
0x184: {  	[tilespmem:s8], [sflag:$0x8] =	stream.linear.gather [hbm4b:s15+s3], $0x80, $0x38;
	[tilespmem:$0x1C400] =	vst v63  }
0x185: {  	s4 =	sadd.s32 $0x30, s6;
	s6 =	simm.s32 $0x1C380  }
0x186: {  	[tilespmem:s6], [sflag:$0x8] =	stream.linear.gather [hbm4b:s4+s3], $0x80, $0x38;
	[tilespmem:$0x1C400] =	vst v63  }
0x187: {  	_ =	swait.ge [sflag:s21], $0x80  }
0x188: {  	[sflag:s21] =	ssyncset.done $0x0  }
0x189: {  	[sflag:s21] =	ssyncadd.s32 $0xFFFFFF80  }
0x18a: {  	_ =	swait.ge [sflag:s21], $0x80  }
0x18b: {  	[sflag:s21] =	ssyncset.done $0x0  }
0x18c: {  	[sflag:s21] =	ssyncadd.s32 $0xFFFFFF80  }
0x18d: {  	[tilespmem:s22], [sflag:$0x2] =	stream.indirect.gather [hbm4b:s7+s31], $0x80, s29, s31, $0xb8;
	[tilespmem:$0x1C400] =	vst v63  }
0x18e: {  	_ =	swait.ge [sflag:s23], $0x4000  }
0x18f: {  	s9 =	smin.u32 s16, $0x9B;
	[sflag:s23] =	ssyncset.done $0x0  }
0x190: {  	s1 =	sshll.u32 s9, $0x7;
	[sflag:s23] =	ssyncadd.s32 $0xFFFFC000  }
0x191: {  	[spmem:s2] =	stream.indirect.scatter.add.f32 [tilespmem:s11], [sflag:$0x3], $0x80, s28, s31, $0xb8;
	[tilespmem:$0x1C400] =	vst v63  }
0x192: {  	s1 =	sadd.s32 s1, s19;
	_ =	swait.ge [sflag:s0], $0x4000  }
0x193: {  	s1 =	sshrl.u32 s1, $0x3;
	[sflag:s0] =	ssyncset.done $0x0  }
0x194: {  	s15 =	sadd.s32 s24, s1;
	[sflag:s0] =	ssyncadd.s32 $0xFFFFC000  }
0x195: {  	[tilespmem:s26], [sflag:$0x5] =	stream.linear.gather [hbm4b:s15+s3], $0x80, $0x38;
	[tilespmem:$0x1C400] =	vst v63  }
0x196: {  	s1 =	sadd.s32 s18, s1  }
0x197: {  	[tilespmem:s28], [sflag:$0x5] =	stream.linear.gather [hbm4b:s1+s3], $0x80, $0x38;
	[tilespmem:$0x1C400] =	vst v63  }
0x198: {  	_ =	swait.ge [sflag:s10], $0x80  }
0x199: {  	[sflag:s10] =	ssyncset.done $0x0  }
0x19a: {  	[sflag:s10] =	ssyncadd.s32 $0xFFFFFF80  }
0x19b: {  	_ =	swait.ge [sflag:s10], $0x80  }
0x19c: {  	[sflag:s10] =	ssyncset.done $0x0  }
0x19d: {  	[sflag:s10] =	ssyncadd.s32 $0xFFFFFF80  }
0x19e: {  	[tilespmem:s11], [sflag:$0x1] =	stream.indirect.gather [hbm4b:s7+s31], $0x80, s5, s31, $0xb8;
	[tilespmem:$0x1C400] =	vst v63  }
0x19f: {  	_ =	swait.ge [sflag:s12], $0x4000  }
0x1a0: {  	s19 =	smin.u32 s16, $0x9A;
	[sflag:s12] =	ssyncset.done $0x0  }
0x1a1: {  	s1 =	sshll.u32 s19, $0x7;
	[sflag:s12] =	ssyncadd.s32 $0xFFFFC000  }
0x1a2: {  	[spmem:s2] =	stream.indirect.scatter.add.f32 [tilespmem:s22], [sflag:$0x4], $0x80, s30, s31, $0xb8;
	[tilespmem:$0x1C400] =	vst v63  }
0x1a3: {  	s1 =	sadd.s32 s1, s25;
	_ =	swait.ge [sflag:s13], $0x4000  }
0x1a4: {  	s1 =	sshrl.u32 s1, $0x3;
	[sflag:s13] =	ssyncset.done $0x0  }
0x1a5: {  	s26 =	sadd.s32 s24, s1;
	[sflag:s13] =	ssyncadd.s32 $0xFFFFC000  }
0x1a6: {  	[tilespmem:s29], [sflag:$0x6] =	stream.linear.gather [hbm4b:s26+s3], $0x80, $0x38;
	[tilespmem:$0x1C400] =	vst v63  }
0x1a7: {  	s1 =	sadd.s32 s18, s1  }
0x1a8: {  	[tilespmem:s30], [sflag:$0x6] =	stream.linear.gather [hbm4b:s1+s3], $0x80, $0x38;
	[tilespmem:$0x1C400] =	vst v63  }
0x1a9: {  	_ =	swait.ge [sflag:s14], $0x80  }
0x1aa: {  	[sflag:s14] =	ssyncset.done $0x0  }
0x1ab: {  	[sflag:s14] =	ssyncadd.s32 $0xFFFFFF80  }
0x1ac: {  	_ =	swait.ge [sflag:s14], $0x80  }
0x1ad: {  	[sflag:s14] =	ssyncset.done $0x0  }
0x1ae: {  	[sflag:s14] =	ssyncadd.s32 $0xFFFFFF80  }
0x1af: {  	[tilespmem:s22], [sflag:$0x2] =	stream.indirect.gather [hbm4b:s7+s31], $0x80, s8, s31, $0xb8;
	[tilespmem:$0x1C400] =	vst v63  }
0x1b0: {  	_ =	swait.ge [sflag:s23], $0x4000  }
0x1b1: {  	s15 =	rddreg [dreg:$0xf]  }
0x1b2: {  	s19 =	rddreg [dreg:$0x8]  }
.Ltmp5:
0x1b3: {  	s8 =	rddreg [dreg:$0xc];
	(pc) =	sbr.rel .LBB2_10-.Ltmp5, $4  }
0x1b4: {  	[sflag:s23] =	ssyncset.done $0x0;
	s16 =	sld [smem:$0x7FA]  }
0x1b5: {  	s26 =	rddreg [dreg:$0x16];
	[sflag:s23] =	ssyncadd.s32 $0xFFFFC000  }
0x1b6: {  	[spmem:s2] =	stream.indirect.scatter.add.f32 [tilespmem:s11], [sflag:$0x3], $0x80, s20, s31, $0xb8;
	[tilespmem:$0x1C400] =	vst v63  }
0x1b7: {  	s1 =	simm.s32 $0x1C380;
	s18 =	rddreg [dreg:$0x0]  }
.LBB2_4:
0x1b8: {  	s1 =	rddreg [dreg:$0x15]  }
0x1b9: {  	[tilespmem:s4], [sflag:$0x5] =	stream.linear.gather [hbm4b:s1+s15], $0x80, $0x38;
	[tilespmem:$0x1C400] =	vst v63  }
0x1ba: {  	s24 =	rddreg [dreg:$0x1a]  }
0x1bb: {  	[tilespmem:s28], [sflag:$0x5] =	stream.linear.gather [hbm4b:s24+s15], $0x80, $0x38;
	[tilespmem:$0x1C400] =	vst v63  }
0x1bc: {  	s26 =	rddreg [dreg:$0x1d];
	p1 =	por $0x1, $0x1  }
0x1bd: {  	[tilespmem:s29], [sflag:$0x6] =	stream.linear.gather [hbm4b:s26+s15], $0x80, $0x38;
	[tilespmem:$0x1C400] =	vst v63  }
0x1be: {  	s6 =	rddreg [dreg:$0x1e];
	s1 =	simm.s32 @!p1 $0x3  }
0x1bf: {  	[tilespmem:s30], [sflag:$0x6] =	stream.linear.gather [hbm4b:s6+s15], $0x80, $0x38;
	[tilespmem:$0x1C400] =	vst v63  }
0x1c0: {  	_ =	swait.ge @!p1 [sflag:s1], $0x4000  }
0x1c1: {  	s16 =	rddreg [dreg:$0x5]  }
0x1c2: {  	s20 =	rddreg [dreg:$0x4];
	[sflag:s1] =	ssyncset.done @!p1 $0x0;
	s16 =	sadd.s32 $0x0, s16  }
0x1c3: {  	[sflag:s1] =	ssyncadd.s32 @!p1 $0xFFFFC000;
	s20 =	sadd.s32 $0x0, s20;
	s9 =	sadd.s32 $0x20, s16  }
0x1c4: {  	[tilespmem:s5], [sflag:$0x7] =	stream.linear.gather [hbm4b:s9+s3], $0x80, $0x38;
	[tilespmem:$0x1C400] =	vst v63  }
0x1c5: {  	s6 =	simm.s32 $0x1C300;
	s12 =	sadd.s32 $0x20, s20  }
0x1c6: {  	[tilespmem:s6], [sflag:$0x7] =	stream.linear.gather [hbm4b:s12+s3], $0x80, $0x38;
	[tilespmem:$0x1C400] =	vst v63  }
0x1c7: {  	_ =	swait.ge [sflag:s17], $0x80  }
0x1c8: {  	[sflag:s17] =	ssyncset.done $0x0  }
0x1c9: {  	[sflag:s17] =	ssyncadd.s32 $0xFFFFFF80  }
0x1ca: {  	_ =	swait.ge [sflag:s17], $0x80  }
0x1cb: {  	[sflag:s17] =	ssyncset.done $0x0  }
0x1cc: {  	s1 =	simm.s32 @!p1 $0x2;
	[sflag:s17] =	ssyncadd.s32 $0xFFFFFF80  }
0x1cd: {  	[tilespmem:s11], [sflag:$0x1] =	stream.indirect.gather [hbm4b:s18+s31], $0x80, s4, s31, $0xb8;
	[tilespmem:$0x1C400] =	vst v63  }
0x1ce: {  	_ =	swait.ge @!p1 [sflag:s1], $0x4000  }
0x1cf: {  	s9 =	simm.s32 @!p1 $0x80;
	[sflag:s1] =	ssyncset.done @!p1 $0x0  }
0x1d0: {  	s6 =	simm.s32 @!p1 $0x18000;
	[sflag:s1] =	ssyncadd.s32 @!p1 $0xFFFFC000;
	s1 =	simm.s32 @!p1 $0x1C380  }
0x1d1: {  	[spmem:s2] =	stream.indirect.scatter.add.f32 @!p1 [tilespmem:s6], [sflag:$0x4], $0x80, s1, s9, $0xb8;
	[tilespmem:$0x1C400] =	vst v63  }
0x1d2: {  	s1 =	simm.s32 @!p1 $0x4  }
0x1d3: {  	_ =	swait.ge @!p1 [sflag:s1], $0x4000  }
0x1d4: {  	[sflag:s1] =	ssyncset.done @!p1 $0x0  }
0x1d5: {  	s13 =	sadd.s32 $0x30, s16;
	s6 =	simm.s32 $0x1C180;
	[sflag:s1] =	ssyncadd.s32 @!p1 $0xFFFFC000  }
0x1d6: {  	[tilespmem:s6], [sflag:$0x8] =	stream.linear.gather [hbm4b:s13+s3], $0x80, $0x38;
	[tilespmem:$0x1C400] =	vst v63  }
0x1d7: {  	s16 =	sadd.s32 $0x30, s20;
	s20 =	simm.s32 $0x1C380  }
0x1d8: {  	[tilespmem:s20], [sflag:$0x8] =	stream.linear.gather [hbm4b:s16+s3], $0x80, $0x38;
	[tilespmem:$0x1C400] =	vst v63  }
0x1d9: {  	_ =	swait.ge [sflag:s21], $0x80  }
0x1da: {  	[sflag:s21] =	ssyncset.done $0x0  }
0x1db: {  	[sflag:s21] =	ssyncadd.s32 $0xFFFFFF80  }
0x1dc: {  	_ =	swait.ge [sflag:s21], $0x80  }
0x1dd: {  	[sflag:s21] =	ssyncset.done $0x0  }
0x1de: {  	[sflag:s21] =	ssyncadd.s32 $0xFFFFFF80  }
0x1df: {  	[tilespmem:s22], [sflag:$0x2] =	stream.indirect.gather [hbm4b:s18+s31], $0x80, s29, s31, $0xb8;
	[tilespmem:$0x1C400] =	vst v63  }
0x1e0: {  	_ =	swait.ge [sflag:s23], $0x4000  }
0x1e1: {  	[sflag:s23] =	ssyncset.done $0x0  }
0x1e2: {  	[sflag:s23] =	ssyncadd.s32 $0xFFFFC000  }
0x1e3: {  	[spmem:s2] =	stream.indirect.scatter.add.f32 [tilespmem:s11], [sflag:$0x3], $0x80, s28, s31, $0xb8;
	[tilespmem:$0x1C400] =	vst v63  }
0x1e4: {  	s24 =	smin.u32 s15, $0x9B;
	_ =	swait.ge [sflag:s0], $0x4000  }
0x1e5: {  	s1 =	sshll.u32 s24, $0x7;
	s26 =	rddreg [dreg:$0xa]  }
0x1e6: {  	s12 =	simm.s32 $0x3;
	s1 =	sadd.s32 s1, s26  }
0x1e7: {  	[sflag:s12] =	ssyncset.done $0x0;
	s1 =	sshrl.u32 s1, $0x3  }
0x1e8: {  	[sflag:s12] =	ssyncadd.s32 $0xFFFFC000;
	s20 =	sadd.s32 s19, s1  }
0x1e9: {  	[tilespmem:s4], [sflag:$0x5] =	stream.linear.gather [hbm4b:s20+s3], $0x80, $0x38;
	[tilespmem:$0x1C400] =	vst v63  }
0x1ea: {  	s1 =	sadd.s32 s8, s1  }
0x1eb: {  	[tilespmem:s28], [sflag:$0x5] =	stream.linear.gather [hbm4b:s1+s3], $0x80, $0x38;
	[tilespmem:$0x1C400] =	vst v63  }
0x1ec: {  	_ =	swait.ge [sflag:s10], $0x80  }
0x1ed: {  	[sflag:s10] =	ssyncset.done $0x0  }
0x1ee: {  	[sflag:s10] =	ssyncadd.s32 $0xFFFFFF80  }
0x1ef: {  	_ =	swait.ge [sflag:s10], $0x80  }
0x1f0: {  	[sflag:s10] =	ssyncset.done $0x0  }
0x1f1: {  	s13 =	simm.s32 $0x2;
	[sflag:s10] =	ssyncadd.s32 $0xFFFFFF80  }
0x1f2: {  	[tilespmem:s11], [sflag:$0x1] =	stream.indirect.gather [hbm4b:s18+s31], $0x80, s5, s31, $0xb8;
	[tilespmem:$0x1C400] =	vst v63  }
0x1f3: {  	s9 =	smov.u32 s25;
	_ =	swait.ge [sflag:s13], $0x4000  }
0x1f4: {  	s24 =	smin.u32 s15, $0x9A;
	s22 =	simm.s32 $0x4;
	[sflag:s13] =	ssyncset.done $0x0  }
0x1f5: {  	s0 =	simm.s32 $0x18000;
	s1 =	sshll.u32 s24, $0x7;
	[sflag:s13] =	ssyncadd.s32 $0xFFFFC000  }
0x1f6: {  	[spmem:s2] =	stream.indirect.scatter.add.f32 [tilespmem:s0], [sflag:$0x4], $0x80, s30, s31, $0xb8;
	[tilespmem:$0x1C400] =	vst v63  }
0x1f7: {  	s1 =	sadd.s32 s1, s9;
	_ =	swait.ge [sflag:s22], $0x4000  }
0x1f8: {  	s1 =	sshrl.u32 s1, $0x3;
	[sflag:s22] =	ssyncset.done $0x0  }
0x1f9: {  	s25 =	smov.u32 s26;
	s26 =	sadd.s32 s19, s1;
	[sflag:s22] =	ssyncadd.s32 $0xFFFFC000  }
0x1fa: {  	[tilespmem:s29], [sflag:$0x6] =	stream.linear.gather [hbm4b:s26+s3], $0x80, $0x38;
	[tilespmem:$0x1C400] =	vst v63  }
0x1fb: {  	s1 =	sadd.s32 s8, s1  }
0x1fc: {  	[tilespmem:s30], [sflag:$0x6] =	stream.linear.gather [hbm4b:s1+s3], $0x80, $0x38;
	[tilespmem:$0x1C400] =	vst v63  }
0x1fd: {  	_ =	swait.ge [sflag:s14], $0x80  }
0x1fe: {  	[sflag:s14] =	ssyncset.done $0x0  }
0x1ff: {  	p2 =	por $0x0, $0x0;
	s15 =	simm.s32 $0x40;
	[sflag:s14] =	ssyncadd.s32 $0xFFFFFF80  }
0x200: {  	s16 =	simm.s32 $0x4;
	s20 =	simm.s32 $0x80;
	_ =	swait.ge [sflag:s14], $0x80  }
0x201: {  	s24 =	smov.u32 s8;
	s28 =	simm.s32 $0x1C000;
	[sflag:s14] =	ssyncset.done $0x0  }
0x202: {  	s5 =	simm.s32 $0x1C280;
	s26 =	simm.s32 $0x1C100;
	[sflag:s14] =	ssyncadd.s32 $0xFFFFFF80  }
0x203: {  	[tilespmem:s0], [sflag:$0x2] =	stream.indirect.gather [hbm4b:s18+s31], $0x80, s6, s31, $0xb8;
	[tilespmem:$0x1C400] =	vst v63  }
0x204: {  	s29 =	simm.s32 $0x1C200;
	s30 =	simm.s32 $0x1C080;
	_ =	swait.ge [sflag:s23], $0x4000  }
.LBB2_5:
0x205: {  	[sflag:s23] =	ssyncset.done $0x0  }
0x206: {  	s1 =	simm.s32 @!p2 $0x3;
	s9 =	simm.s32 $0x1C300;
	[sflag:s23] =	ssyncadd.s32 $0xFFFFC000  }
0x207: {  	[spmem:s2] =	stream.indirect.scatter.add.f32 [tilespmem:s11], [sflag:$0x3], $0x80, s9, s31, $0xb8;
	[tilespmem:$0x1C400] =	vst v63  }
0x208: {  	_ =	swait.ge @!p2 [sflag:s1], $0x4000  }
0x209: {  	s6 =	rddreg [dreg:$0x5]  }
0x20a: {  	[sflag:s1] =	ssyncset.done @!p2 $0x0;
	s19 =	rddreg [dreg:$0x4];
	s6 =	sadd.s32 s15, s6  }
0x20b: {  	[sflag:s1] =	ssyncadd.s32 @!p2 $0xFFFFC000;
	s1 =	sadd.s32 s15, s19;
	s8 =	sadd.s32 $0x20, s6  }
0x20c: {  	[tilespmem:s26], [sflag:$0x7] =	stream.linear.gather [hbm4b:s8+s3], $0x80, $0x38;
	[tilespmem:$0x1C400] =	vst v63  }
0x20d: {  	s19 =	sadd.s32 $0x20, s1  }
0x20e: {  	[tilespmem:s9], [sflag:$0x7] =	stream.linear.gather [hbm4b:s19+s3], $0x80, $0x38;
	[tilespmem:$0x1C400] =	vst v63  }
0x20f: {  	_ =	swait.ge [sflag:s17], $0x80  }
0x210: {  	[sflag:s17] =	ssyncset.done $0x0  }
0x211: {  	[sflag:s17] =	ssyncadd.s32 $0xFFFFFF80  }
0x212: {  	_ =	swait.ge [sflag:s17], $0x80  }
0x213: {  	s4 =	smov.u32 s20;
	[sflag:s17] =	ssyncset.done $0x0  }
0x214: {  	s15 =	smov.u32 s4;
	s4 =	simm.s32 @!p2 $0x2;
	[sflag:s17] =	ssyncadd.s32 $0xFFFFFF80  }
0x215: {  	[tilespmem:s11], [sflag:$0x1] =	stream.indirect.gather [hbm4b:s18+s31], $0x80, s28, s31, $0xb8;
	[tilespmem:$0x1C400] =	vst v63  }
0x216: {  	_ =	swait.ge @!p2 [sflag:s4], $0x4000  }
0x217: {  	s8 =	simm.s32 @!p2 $0x18000;
	[sflag:s4] =	ssyncset.done @!p2 $0x0  }
0x218: {  	s19 =	simm.s32 @!p2 $0x1C380;
	s18 =	simm.s32 @!p2 $0x80;
	[sflag:s4] =	ssyncadd.s32 @!p2 $0xFFFFC000  }
0x219: {  	[spmem:s2] =	stream.indirect.scatter.add.f32 @!p2 [tilespmem:s8], [sflag:$0x4], $0x80, s19, s18, $0xb8;
	[tilespmem:$0x1C400] =	vst v63  }
0x21a: {  	s9 =	simm.s32 @!p2 $0x4;
	s19 =	rddreg [dreg:$0x8]  }
0x21b: {  	s18 =	rddreg [dreg:$0x0];
	_ =	swait.ge @!p2 [sflag:s9], $0x4000  }
0x21c: {  	[sflag:s9] =	ssyncset.done @!p2 $0x0  }
0x21d: {  	s8 =	sadd.s32 $0x30, s6;
	s6 =	simm.s32 $0x1C180;
	[sflag:s9] =	ssyncadd.s32 @!p2 $0xFFFFC000  }
0x21e: {  	[tilespmem:s6], [sflag:$0x8] =	stream.linear.gather [hbm4b:s8+s3], $0x80, $0x38;
	[tilespmem:$0x1C400] =	vst v63  }
0x21f: {  	s1 =	sadd.s32 $0x30, s1;
	s9 =	simm.s32 $0x1C380  }
0x220: {  	[tilespmem:s9], [sflag:$0x8] =	stream.linear.gather [hbm4b:s1+s3], $0x80, $0x38;
	[tilespmem:$0x1C400] =	vst v63  }
0x221: {  	_ =	swait.ge [sflag:s21], $0x80  }
0x222: {  	[sflag:s21] =	ssyncset.done $0x0  }
0x223: {  	[sflag:s21] =	ssyncadd.s32 $0xFFFFFF80  }
0x224: {  	_ =	swait.ge [sflag:s21], $0x80  }
0x225: {  	[sflag:s21] =	ssyncset.done $0x0  }
0x226: {  	[sflag:s21] =	ssyncadd.s32 $0xFFFFFF80  }
0x227: {  	[tilespmem:s0], [sflag:$0x2] =	stream.indirect.gather [hbm4b:s18+s31], $0x80, s30, s31, $0xb8;
	[tilespmem:$0x1C400] =	vst v63  }
0x228: {  	_ =	swait.ge [sflag:s23], $0x4000  }
0x229: {  	s8 =	smin.u32 s16, $0x9B;
	[sflag:s23] =	ssyncset.done $0x0  }
0x22a: {  	s1 =	sshll.u32 s8, $0x7;
	[sflag:s23] =	ssyncadd.s32 $0xFFFFC000  }
0x22b: {  	[spmem:s2] =	stream.indirect.scatter.add.f32 [tilespmem:s11], [sflag:$0x3], $0x80, s29, s31, $0xb8;
	[tilespmem:$0x1C400] =	vst v63  }
0x22c: {  	s1 =	sadd.s32 s1, s25;
	_ =	swait.ge [sflag:s12], $0x4000  }
0x22d: {  	s1 =	sshrl.u32 s1, $0x3;
	[sflag:s12] =	ssyncset.done $0x0  }
0x22e: {  	s9 =	sadd.s32 s19, s1;
	[sflag:s12] =	ssyncadd.s32 $0xFFFFC000  }
0x22f: {  	[tilespmem:s28], [sflag:$0x5] =	stream.linear.gather [hbm4b:s9+s3], $0x80, $0x38;
	[tilespmem:$0x1C400] =	vst v63  }
0x230: {  	s1 =	sadd.s32 s24, s1  }
0x231: {  	[tilespmem:s29], [sflag:$0x5] =	stream.linear.gather [hbm4b:s1+s3], $0x80, $0x38;
	[tilespmem:$0x1C400] =	vst v63  }
0x232: {  	_ =	swait.ge [sflag:s10], $0x80  }
0x233: {  	[sflag:s10] =	ssyncset.done $0x0  }
0x234: {  	[sflag:s10] =	ssyncadd.s32 $0xFFFFFF80  }
0x235: {  	_ =	swait.ge [sflag:s10], $0x80  }
0x236: {  	[sflag:s10] =	ssyncset.done $0x0  }
0x237: {  	[sflag:s10] =	ssyncadd.s32 $0xFFFFFF80  }
0x238: {  	[tilespmem:s11], [sflag:$0x1] =	stream.indirect.gather [hbm4b:s18+s31], $0x80, s26, s31, $0xb8;
	[tilespmem:$0x1C400] =	vst v63  }
0x239: {  	_ =	swait.ge [sflag:s13], $0x4000  }
0x23a: {  	[sflag:s13] =	ssyncset.done $0x0  }
0x23b: {  	[sflag:s13] =	ssyncadd.s32 $0xFFFFC000  }
0x23c: {  	[spmem:s2] =	stream.indirect.scatter.add.f32 [tilespmem:s0], [sflag:$0x4], $0x80, s5, s31, $0xb8;
	[tilespmem:$0x1C400] =	vst v63  }
0x23d: {  	s4 =	smin.u32 s16, $0x9A;
	_ =	swait.ge [sflag:s22], $0x4000  }
0x23e: {  	s1 =	sshll.u32 s4, $0x7;
	s8 =	rddreg [dreg:$0xb]  }
0x23f: {  	s1 =	sadd.s32 s1, s8  }
0x240: {  	[sflag:s22] =	ssyncset.done $0x0;
	s1 =	sshrl.u32 s1, $0x3  }
0x241: {  	[sflag:s22] =	ssyncadd.s32 $0xFFFFC000;
	s9 =	sadd.s32 s19, s1  }
0x242: {  	[tilespmem:s30], [sflag:$0x6] =	stream.linear.gather [hbm4b:s9+s3], $0x80, $0x38;
	[tilespmem:$0x1C400] =	vst v63  }
0x243: {  	s1 =	sadd.s32 s24, s1  }
0x244: {  	[tilespmem:s5], [sflag:$0x6] =	stream.linear.gather [hbm4b:s1+s3], $0x80, $0x38;
	[tilespmem:$0x1C400] =	vst v63  }
0x245: {  	_ =	swait.ge [sflag:s14], $0x80  }
0x246: {  	s20 =	sadd.s32 $0x40, s20;
	[sflag:s14] =	ssyncset.done $0x0  }
0x247: {  	p1 =	seq.s32 s20, $0xA00;
	[sflag:s14] =	ssyncadd.s32 $0xFFFFFF80  }
.Ltmp6:
0x248: {  	_ =	swait.ge [sflag:s14], $0x80;
	(pc) =	sbr.rel @!p1 .LBB2_5-.Ltmp6, $4  }
0x249: {  	[sflag:s14] =	ssyncset.done $0x0  }
0x24a: {  	[sflag:s14] =	ssyncadd.s32 $0xFFFFFF80  }
0x24b: {  	[tilespmem:s0], [sflag:$0x2] =	stream.indirect.gather [hbm4b:s18+s31], $0x80, s6, s31, $0xb8;
	[tilespmem:$0x1C400] =	vst v63  }
0x24c: {  	p2 =	seq.s32 s15, $0x0;
	s16 =	sadd.s32 $0x4, s16;
	_ =	swait.ge [sflag:s23], $0x4000  }
.Ltmp7:
0x24d: {  	_ = 	snop;
	(pc) =	sbr.rel .LBB2_6-.Ltmp7, $1  }
0x24e: {  	_ =	sdelay $0x3  }
.LBB2_11:
0x24f: {  	_ =	sfence.sel $0x180000  }
0x250: {  	[bflag:$0x0] =	sbarrier.arrive $0xFFFF  }
0x251: {  	_ =	strace $0x90000047  }
0x252: {  	s0 =	stileid.u32;
	[bflag:$0x2] =	sbarrier.arrive $0xFFFF  }
0x253: {  	p0 =	sne.s32 s0, $0x0;
	s0 =	rddreg [dreg:$0x3]  }
0x254: {  	s0 =	sadd.s32 @!p0 $0x100000, s0  }
0x255: {  	[sflag:s0] =	ssyncadd.tile.s32 @!p0 $0x1;
	_ =	shalt  }
.Lfunc_end2:
_tile_overlayer_lowered:
.L_overlay_start_2:
0x256: {  	(tag) =	ssettag $0x2  }
0x257: {  	s0 =	rddreg [dreg:$0x0];
	s2 =	stileid.u32  }
0x258: {  	s1 =	rddreg [dreg:$0x1];
	p0 =	sne.s32 s2, $0x0  }
0x259: {  	s3 =	rddreg [dreg:$0x2];
	[bflag:$0x3] =	sbarrier.arrive $0xFFFF;
	s2 =	simm.s32 @!p0 $0x1C09  }
0x25a: {  	[timem:s3], [sflag:s2] =	dma.local @!p0 [hbm:s0], s1  }
0x25b: {  	s0 =	simm.s32 @!p0 $0x9  }
0x25c: {  	_ =	swait.ge @!p0 [sflag:s0], s1  }
0x25d: {  	s1 =	ssub.s32 @!p0 $0x0, s1;
	[sflag:s0] =	ssyncset.done @!p0 $0x0  }
0x25e: {  	[sflag:s0] =	ssyncadd.s32 @!p0 s1  }
0x25f: {  	[bflag:$0x3] =	sbarrier.arrive $0xFFFF  }
0x260: {  	_ =	shalt  }

</sc_bundles>
